<compile_context>
chip_gen: v7x
topology: tpu7x:2x2x1
jax: 0.10.2.dev20260603
libtpu: 0.0.44.dev20260713+nightly
codegen_flags: <defaults>
</compile_context>

<pallas_src>
import functools

import jax
import jax.numpy as jnp
from jax import lax
from jax.experimental import pallas as pl
from jax.experimental.pallas import tpu as pltpu
from jax.experimental.pallas import tpu_sc as plsc

BETA = 0.25



_SEG = (0, 2736, 5472, 8192)


def _rne_bf16(x):
    u = lax.bitcast_convert_type(x, jnp.int32)
    u = u + jnp.int32(0x7FFF) + ((u >> 16) & jnp.int32(1))
    return lax.bitcast_convert_type(u & jnp.int32(-65536), jnp.float32)


def _argmin_body(nb_total, kb_total, bn, bk, k_total,
                 z2_ref, w2_ref, z_ref, w_ref,
                 idx_out, sum_out, minv_ref, mini_ref):
    nb = pl.program_id(0)
    kb = pl.program_id(1)

    dot = lax.dot_general(
        z_ref[...], w_ref[...], (((1,), (1,)), ((), ())),
        preferred_element_type=jnp.float32)
    dist = (z2_ref[...] - 2.0 * dot) + w2_ref[...]

    cols = kb * bk + lax.broadcasted_iota(jnp.int32, (bn, bk), 1)
    inf = jnp.float32(jnp.inf)

    @pl.when(kb == 0)
    def _init():
        minv_ref[...] = jnp.full((3, bn), inf, jnp.float32)
        mini_ref[...] = jnp.zeros((3, bn), jnp.int32)

    def _merge(s, dist_s):
        bmin = jnp.min(dist_s, axis=1).reshape(1, bn)
        bidx = jnp.min(jnp.where(dist_s == bmin.reshape(bn, 1), cols,
                                 k_total), axis=1).reshape(1, bn)
        prev_v = minv_ref[s:s + 1, :]
        prev_i = mini_ref[s:s + 1, :]
        keep = (prev_v < bmin) | ((prev_v == bmin) & (prev_i <= bidx))
        minv_ref[s:s + 1, :] = jnp.where(keep, prev_v, bmin)
        mini_ref[s:s + 1, :] = jnp.where(keep, prev_i, bidx)

    for kbv in range(kb_total):
        lo, hi = kbv * bk, (kbv + 1) * bk
        segs = [s for s in range(3)
                if _SEG[s] < hi and _SEG[s + 1] > lo]

        @pl.when(kb == kbv)
        def _do(segs=segs, lo=lo, hi=hi):
            for s in segs:
                if _SEG[s] <= lo and _SEG[s + 1] >= hi:
                    _merge(s, dist)
                else:
                    mask = (cols >= _SEG[s]) & (cols < _SEG[s + 1])
                    _merge(s, jnp.where(mask, dist, inf))

    @pl.when(kb == kb_total - 1)
    def _final():
        bv = minv_ref[0:1, :]
        bu = bv
        bi = mini_ref[0:1, :]
        for s in (1, 2):
            bv = _rne_bf16(bv)
            ev = minv_ref[s:s + 1, :]
            ei = mini_ref[s:s + 1, :]
            keep = (bv < ev) | ((bv == ev) & (bi < ei))
            bv = jnp.where(keep, bv, ev)
            bu = jnp.where(keep, bu, ev)
            bi = jnp.where(keep, bi, ei)
        idx_out[0, 0, :] = bi.reshape(bn)
        ssum = jnp.sum(bu)
        sum_out[0, 0] = jnp.where(nb == 0, ssum, sum_out[0, 0] + ssum)


def _distance_argmin(z, w, z2, w2, bn=1024, bk=2048):
    n, d = z.shape
    k = w.shape[0]
    nb_total, kb_total = n // bn, k // bk
    idx, dist_sum = pl.pallas_call(
        functools.partial(_argmin_body, nb_total, kb_total, bn, bk, k),
        grid=(nb_total, kb_total),
        in_specs=[
            pl.BlockSpec((bn, 1), lambda nb, kb: (nb, 0)),
            pl.BlockSpec((1, bk), lambda nb, kb: (0, kb)),
            pl.BlockSpec((bn, d), lambda nb, kb: (nb, 0)),
            pl.BlockSpec((bk, d), lambda nb, kb: (kb, 0)),
        ],
        out_specs=[
            pl.BlockSpec((1, 1, bn), lambda nb, kb: (nb, 0, 0)),
            pl.BlockSpec(memory_space=pltpu.SMEM),
        ],
        out_shape=[
            jax.ShapeDtypeStruct((nb_total, 1, bn), jnp.int32),
            jax.ShapeDtypeStruct((1, 1), jnp.float32),
        ],
        scratch_shapes=[
            pltpu.VMEM((3, bn), jnp.float32),
            pltpu.VMEM((3, bn), jnp.int32),
        ],
    )(z2, w2, z, w)
    return idx.reshape(n), dist_sum




def _finalize_body(n, d, hist_ref, sum_ref, vql_ref, perp_ref):
    counts = jnp.sum(hist_ref[...], axis=0)
    p = counts * (1.0 / n)
    ent = jnp.sum(p * jnp.log(p + 1e-10))
    perp_ref[0, 0] = jnp.exp(-ent)
    vql_ref[0, 0] = (BETA / (n * d)) * sum_ref[0, 0]


def _finalize(hist, dist_sum, n, d):
    vql, perp = pl.pallas_call(
        functools.partial(_finalize_body, n, d),
        in_specs=[
            pl.BlockSpec(memory_space=pltpu.VMEM),
            pl.BlockSpec(memory_space=pltpu.SMEM),
        ],
        out_specs=[
            pl.BlockSpec(memory_space=pltpu.SMEM),
            pl.BlockSpec(memory_space=pltpu.SMEM),
        ],
        out_shape=[
            jax.ShapeDtypeStruct((1, 1), jnp.float32),
            jax.ShapeDtypeStruct((1, 1), jnp.float32),
        ],
    )(hist, dist_sum)
    return vql.reshape(()), perp.reshape(())




def _make_gather_hist(k, d, n):
    info = plsc.get_sparse_core_info()
    nc, ns = info.num_cores, info.num_subcores
    nw = nc * ns
    b_per_w = n // nw
    chunk = 128
    nchunk = b_per_w // chunk
    mesh = plsc.VectorSubcoreMesh(core_axis_name="c", subcore_axis_name="s")

    @functools.partial(
        pl.kernel,
        out_type=[
            jax.ShapeDtypeStruct((n, d), jnp.float32),
            jax.ShapeDtypeStruct((nw, k), jnp.float32),
        ],
        mesh=mesh,
        compiler_params=pltpu.CompilerParams(needs_layout_passes=False),
        scratch_types=[
            pltpu.VMEM((nchunk, chunk), jnp.int32),
            pltpu.VMEM((chunk, d), jnp.float32),
            pltpu.VMEM((k,), jnp.float32),
            pltpu.SemaphoreType.DMA,
        ],
    )
    def gather_hist(w_hbm, idx_hbm, zq_hbm, hist_hbm, idx_v, rows_v,
                    hist_v, sem):
        wid = lax.axis_index("s") * nc + lax.axis_index("c")
        base = wid * b_per_w

        def _zero(i, _):
            hist_v[pl.ds(i * 16, 16)] = jnp.zeros((16,), jnp.float32)
            return 0
        lax.fori_loop(0, k // 16, _zero, 0, unroll=8)

        ones = jnp.ones((16,), jnp.float32)
        for j in range(nchunk):
            pltpu.sync_copy(idx_hbm.at[pl.ds(base + j * chunk, chunk)],
                            idx_v.at[j])
            pltpu.async_copy(w_hbm.at[idx_v.at[j]], rows_v, sem).wait()
            pltpu.sync_copy(rows_v,
                            zq_hbm.at[pl.ds(base + j * chunk, chunk)])
            for i in range(chunk // 16):
                v = idx_v[j, pl.ds(i * 16, 16)]
                plsc.addupdate_scatter(hist_v, [v], ones)

        pltpu.sync_copy(hist_v, hist_hbm.at[wid])

    return gather_hist




def kernel(z_e, W):
    d = W.shape[1]
    k = W.shape[0]
    z = z_e.reshape(-1, d)
    n = z.shape[0]

    z2 = jnp.sum(z * z, axis=1, keepdims=True)
    w2 = jnp.sum(W * W, axis=1).reshape(1, k)

    idx, dist_sum = _distance_argmin(z.astype(jnp.bfloat16),
                                     W.astype(jnp.bfloat16), z2, w2)
    z_q, hist = _make_gather_hist(k, d, n)(W, idx)
    vq_loss, perplexity = _finalize(hist, dist_sum, n, d)

    return (z_q.reshape(z_e.shape), idx.reshape(z_e.shape[:-1]),
            vq_loss, perplexity)

# --- scband reference (transcript-rebuilt; emitter-appended) ---
"""Pipeline reference for scband-vector-quantizer-ema-10763188044455 (READ-ONLY COPY).

The authoritative reference and input builder live on the scoring server;
editing this copy changes nothing except your own understanding.
"""

import jax, jax.numpy as jnp
import numpy as np

CODEBOOK_SIZE = 8192
DIM = 256
BETA = 0.25

def setup_inputs(seed: int = 0) -> dict:
    key = jax.random.key(seed)
    k1, k2 = jax.random.split(key)
    z_e = jax.random.normal(k1, (16, 1024, DIM), dtype=jnp.float32)
    # kaiming_uniform with a=sqrt(5): bound = sqrt(6 / ((1 + a^2) * fan_in)) = sqrt(1/fan_in)
    bound = float(np.sqrt(1.0 / DIM))
    W = jax.random.uniform(k2, (CODEBOOK_SIZE, DIM), dtype=jnp.float32, minval=-bound, maxval=bound)
    return {"z_e": z_e, "W": W}

def reference(z_e, W):
    dim = W.shape[1]
    K = W.shape[0]
    z = z_e.reshape(-1, dim)
    distances = (jnp.sum(z * z, axis=1, keepdims=True)
                 - 2.0 * (z @ W.T)
                 + jnp.sum(W * W, axis=1))
    indices = jnp.argmin(distances, axis=1)
    encodings = jax.nn.one_hot(indices, K, dtype=z.dtype)
    z_q = (encodings @ W).reshape(z_e.shape)
    z_q_st = z_e + jax.lax.stop_gradient(z_q - z_e)
    commitment_loss = jnp.mean((jax.lax.stop_gradient(z_q) - z_e) ** 2)
    vq_loss = BETA * commitment_loss
    avg_probs = jnp.mean(encodings, axis=0)
    perplexity = jnp.exp(-jnp.sum(avg_probs * jnp.log(avg_probs + 1e-10)))
    return (z_q_st, indices.reshape(z_e.shape[:-1]), vq_loss, perplexity)

if __name__ == "__main__":
    import jax
    _d = setup_inputs()
    print(jax.jit(kernel)(*tuple(_d.values())))

</pallas_src>

<mosaic_0001>
#map = affine_map<(d0, d1) -> (0, 0)>
#map1 = affine_map<(d0, d1) -> (0)>
module attributes {stable_mosaic.version = 14 : i64} {
  func.func @gather_hist(%arg0: i32, %arg1: i32, %arg2: memref<8192x256xf32, #tpu.memory_space<hbm>>, %arg3: memref<16384xi32, #tpu.memory_space<hbm>>, %arg4: memref<16384x256xf32, #tpu.memory_space<hbm>>, %arg5: memref<32x8192xf32, #tpu.memory_space<hbm>>, %arg6: memref<4x128xi32, #tpu.memory_space<vmem>>, %arg7: memref<128x256xf32, #tpu.memory_space<vmem>>, %arg8: memref<8192xf32, #tpu.memory_space<vmem>>, %arg9: memref<!tpu.dma_semaphore, #tpu.memory_space<semaphore_mem>>) attributes {dimension_semantics = [#tpu.dimension_semantics<core_parallel>, #tpu.dimension_semantics<subcore_parallel>], iteration_bounds = array<i64: 2, 16>, scalar_prefetch = 0 : i64, scratch_operands = 4 : i64, tpu.core_type = #tpu.core_type<sc_vector_subcore>, window_params = [{transform_indices = #map}, {transform_indices = #map1}, {transform_indices = #map}, {transform_indices = #map}]} {
    %mul3A = arith.constant 2 : i32
    %mul3A_0 = arith.muli %arg1, %mul3A : i32
    %add3A = arith.addi %mul3A_0, %arg0 : i32
    %mul3A_1 = arith.constant 512 : i32
    %mul3A_2 = arith.muli %add3A, %mul3A_1 : i32
    %scan3A = arith.constant 0 : i32
    %scan3A_3 = arith.constant 0 : i32
    %scan3A_4 = arith.constant 512 : i32
    %scan3A_5 = arith.addi %scan3A_3, %scan3A_4 : i32
    %scan3A_6 = arith.constant 8 : i32
    %scan3A_7 = scf.for %scan3A_210 = %scan3A_3 to %scan3A_5 step %scan3A_6 iter_args(%scan3A_211 = %scan3A) -> (i32)  : i32 {
      %broadcast_in_dim3A_212 = arith.constant 0.000000e+00 : f32
      %broadcast_in_dim3A_213 = vector.broadcast %broadcast_in_dim3A_212 : f32 to vector<16xf32>
      %mul3A_214 = arith.constant 16 : i32
      %mul3A_215 = arith.muli %scan3A_210, %mul3A_214 : i32
      %swap3A = arith.index_cast %mul3A_215 : i32 to index
      %swap3A_216 = tpu.vector_load %arg8[%swap3A] {strides = array<i32>} : memref<8192xf32, #tpu.memory_space<vmem>>, vector<16xf32>,
      tpu.vector_store %arg8[%swap3A], %broadcast_in_dim3A_213 {strides = array<i32>} : memref<8192xf32, #tpu.memory_space<vmem>>, vector<16xf32>,
      %scan3A_217 = arith.constant 0 : i32
      %scan3A_218 = arith.constant 1 : i32
      %scan3A_219 = arith.addi %scan3A_210, %scan3A_218 : i32
      %broadcast_in_dim3A_220 = arith.constant 0.000000e+00 : f32
      %broadcast_in_dim3A_221 = vector.broadcast %broadcast_in_dim3A_220 : f32 to vector<16xf32>
      %mul3A_222 = arith.constant 16 : i32
      %mul3A_223 = arith.muli %scan3A_219, %mul3A_222 : i32
      %swap3A_224 = arith.index_cast %mul3A_223 : i32 to index
      %swap3A_225 = tpu.vector_load %arg8[%swap3A_224] {strides = array<i32>} : memref<8192xf32, #tpu.memory_space<vmem>>, vector<16xf32>,
      tpu.vector_store %arg8[%swap3A_224], %broadcast_in_dim3A_221 {strides = array<i32>} : memref<8192xf32, #tpu.memory_space<vmem>>, vector<16xf32>,
      %scan3A_226 = arith.constant 0 : i32
      %scan3A_227 = arith.constant 2 : i32
      %scan3A_228 = arith.addi %scan3A_210, %scan3A_227 : i32
      %broadcast_in_dim3A_229 = arith.constant 0.000000e+00 : f32
      %broadcast_in_dim3A_230 = vector.broadcast %broadcast_in_dim3A_229 : f32 to vector<16xf32>
      %mul3A_231 = arith.constant 16 : i32
      %mul3A_232 = arith.muli %scan3A_228, %mul3A_231 : i32
      %swap3A_233 = arith.index_cast %mul3A_232 : i32 to index
      %swap3A_234 = tpu.vector_load %arg8[%swap3A_233] {strides = array<i32>} : memref<8192xf32, #tpu.memory_space<vmem>>, vector<16xf32>,
      tpu.vector_store %arg8[%swap3A_233], %broadcast_in_dim3A_230 {strides = array<i32>} : memref<8192xf32, #tpu.memory_space<vmem>>, vector<16xf32>,
      %scan3A_235 = arith.constant 0 : i32
      %scan3A_236 = arith.constant 3 : i32
      %scan3A_237 = arith.addi %scan3A_210, %scan3A_236 : i32
      %broadcast_in_dim3A_238 = arith.constant 0.000000e+00 : f32
      %broadcast_in_dim3A_239 = vector.broadcast %broadcast_in_dim3A_238 : f32 to vector<16xf32>
      %mul3A_240 = arith.constant 16 : i32
      %mul3A_241 = arith.muli %scan3A_237, %mul3A_240 : i32
      %swap3A_242 = arith.index_cast %mul3A_241 : i32 to index
      %swap3A_243 = tpu.vector_load %arg8[%swap3A_242] {strides = array<i32>} : memref<8192xf32, #tpu.memory_space<vmem>>, vector<16xf32>,
      tpu.vector_store %arg8[%swap3A_242], %broadcast_in_dim3A_239 {strides = array<i32>} : memref<8192xf32, #tpu.memory_space<vmem>>, vector<16xf32>,
      %scan3A_244 = arith.constant 0 : i32
      %scan3A_245 = arith.constant 4 : i32
      %scan3A_246 = arith.addi %scan3A_210, %scan3A_245 : i32
      %broadcast_in_dim3A_247 = arith.constant 0.000000e+00 : f32
      %broadcast_in_dim3A_248 = vector.broadcast %broadcast_in_dim3A_247 : f32 to vector<16xf32>
      %mul3A_249 = arith.constant 16 : i32
      %mul3A_250 = arith.muli %scan3A_246, %mul3A_249 : i32
      %swap3A_251 = arith.index_cast %mul3A_250 : i32 to index
      %swap3A_252 = tpu.vector_load %arg8[%swap3A_251] {strides = array<i32>} : memref<8192xf32, #tpu.memory_space<vmem>>, vector<16xf32>,
      tpu.vector_store %arg8[%swap3A_251], %broadcast_in_dim3A_248 {strides = array<i32>} : memref<8192xf32, #tpu.memory_space<vmem>>, vector<16xf32>,
      %scan3A_253 = arith.constant 0 : i32
      %scan3A_254 = arith.constant 5 : i32
      %scan3A_255 = arith.addi %scan3A_210, %scan3A_254 : i32
      %broadcast_in_dim3A_256 = arith.constant 0.000000e+00 : f32
      %broadcast_in_dim3A_257 = vector.broadcast %broadcast_in_dim3A_256 : f32 to vector<16xf32>
      %mul3A_258 = arith.constant 16 : i32
      %mul3A_259 = arith.muli %scan3A_255, %mul3A_258 : i32
      %swap3A_260 = arith.index_cast %mul3A_259 : i32 to index
      %swap3A_261 = tpu.vector_load %arg8[%swap3A_260] {strides = array<i32>} : memref<8192xf32, #tpu.memory_space<vmem>>, vector<16xf32>,
      tpu.vector_store %arg8[%swap3A_260], %broadcast_in_dim3A_257 {strides = array<i32>} : memref<8192xf32, #tpu.memory_space<vmem>>, vector<16xf32>,
      %scan3A_262 = arith.constant 0 : i32
      %scan3A_263 = arith.constant 6 : i32
      %scan3A_264 = arith.addi %scan3A_210, %scan3A_263 : i32
      %broadcast_in_dim3A_265 = arith.constant 0.000000e+00 : f32
      %broadcast_in_dim3A_266 = vector.broadcast %broadcast_in_dim3A_265 : f32 to vector<16xf32>
      %mul3A_267 = arith.constant 16 : i32
      %mul3A_268 = arith.muli %scan3A_264, %mul3A_267 : i32
      %swap3A_269 = arith.index_cast %mul3A_268 : i32 to index
      %swap3A_270 = tpu.vector_load %arg8[%swap3A_269] {strides = array<i32>} : memref<8192xf32, #tpu.memory_space<vmem>>, vector<16xf32>,
      tpu.vector_store %arg8[%swap3A_269], %broadcast_in_dim3A_266 {strides = array<i32>} : memref<8192xf32, #tpu.memory_space<vmem>>, vector<16xf32>,
      %scan3A_271 = arith.constant 0 : i32
      %scan3A_272 = arith.constant 7 : i32
      %scan3A_273 = arith.addi %scan3A_210, %scan3A_272 : i32
      %broadcast_in_dim3A_274 = arith.constant 0.000000e+00 : f32
      %broadcast_in_dim3A_275 = vector.broadcast %broadcast_in_dim3A_274 : f32 to vector<16xf32>
      %mul3A_276 = arith.constant 16 : i32
      %mul3A_277 = arith.muli %scan3A_273, %mul3A_276 : i32
      %swap3A_278 = arith.index_cast %mul3A_277 : i32 to index
      %swap3A_279 = tpu.vector_load %arg8[%swap3A_278] {strides = array<i32>} : memref<8192xf32, #tpu.memory_space<vmem>>, vector<16xf32>,
      tpu.vector_store %arg8[%swap3A_278], %broadcast_in_dim3A_275 {strides = array<i32>} : memref<8192xf32, #tpu.memory_space<vmem>>, vector<16xf32>,
      %scan3A_280 = arith.constant 0 : i32
      scf.yield %scan3A_280 : i32
    }
    %scan3A_8 = arith.constant 512 : i32
    %broadcast_in_dim3A = arith.constant 1.000000e+00 : f32
    %broadcast_in_dim3A_9 = vector.broadcast %broadcast_in_dim3A : f32 to vector<16xf32>
    %add3A_10 = arith.constant 0 : i32
    %add3A_11 = arith.addi %mul3A_2, %add3A_10 : i32
    %run_scoped3A = arith.constant 0 : i32
    "tpu.region"() ({
      %run_scoped3A_210 = tpu.sem_alloc : memref<!tpu.dma_semaphore, #tpu.memory_space<semaphore_mem>>
      %dma_start3A_211 = arith.constant 0 : i32
      %dma_start3A_212 = tpu.memref_slice %arg6[%run_scoped3A, %dma_start3A_211] : memref<4x128xi32, #tpu.memory_space<vmem>> -> memref<1x128xi32, #tpu.memory_space<vmem>>
      %dma_start3A_213 = tpu.memref_squeeze %dma_start3A_212 : memref<1x128xi32, #tpu.memory_space<vmem>> -> memref<128xi32, #tpu.memory_space<vmem>>
      %dma_start3A_214 = tpu.memref_slice %arg3[%add3A_11] : memref<16384xi32, #tpu.memory_space<hbm>> -> memref<128xi32, #tpu.memory_space<hbm>>
      %dma_start3A_215 = arith.constant 0 : i32
      %dma_start3A_216 = tpu.memref_slice %arg6[%run_scoped3A, %dma_start3A_215] : memref<4x128xi32, #tpu.memory_space<vmem>> -> memref<1x128xi32, #tpu.memory_space<vmem>>
      %dma_start3A_217 = tpu.memref_squeeze %dma_start3A_216 : memref<1x128xi32, #tpu.memory_space<vmem>> -> memref<128xi32, #tpu.memory_space<vmem>>
      %dma_start3A_218 = tpu.memref_slice %arg3[%add3A_11] : memref<16384xi32, #tpu.memory_space<hbm>> -> memref<128xi32, #tpu.memory_space<hbm>>
      tpu.enqueue_dma source(%dma_start3A_218 : memref<128xi32, #tpu.memory_space<hbm>>) target(%dma_start3A_217 : memref<128xi32, #tpu.memory_space<vmem>>) target_semaphore(%run_scoped3A_210 : memref<!tpu.dma_semaphore, #tpu.memory_space<semaphore_mem>>)
      %dma_wait3A_219 = arith.constant 0 : i32
      %dma_wait3A_220 = tpu.memref_slice %arg6[%run_scoped3A, %dma_wait3A_219] : memref<4x128xi32, #tpu.memory_space<vmem>> -> memref<1x128xi32, #tpu.memory_space<vmem>>
      %dma_wait3A_221 = tpu.memref_squeeze %dma_wait3A_220 : memref<1x128xi32, #tpu.memory_space<vmem>> -> memref<128xi32, #tpu.memory_space<vmem>>
      %dma_wait3A_222 = tpu.memref_slice %arg3[%add3A_11] : memref<16384xi32, #tpu.memory_space<hbm>> -> memref<128xi32, #tpu.memory_space<hbm>>
      %dma_wait3A_223 = arith.constant 0 : i32
      %dma_wait3A_224 = tpu.memref_slice %arg6[%run_scoped3A, %dma_wait3A_223] : memref<4x128xi32, #tpu.memory_space<vmem>> -> memref<1x128xi32, #tpu.memory_space<vmem>>
      %dma_wait3A_225 = tpu.memref_squeeze %dma_wait3A_224 : memref<1x128xi32, #tpu.memory_space<vmem>> -> memref<128xi32, #tpu.memory_space<vmem>>
      %dma_wait3A_226 = tpu.memref_slice %arg3[%add3A_11] : memref<16384xi32, #tpu.memory_space<hbm>> -> memref<128xi32, #tpu.memory_space<hbm>>
      tpu.wait_dma2 semaphore(%run_scoped3A_210 : memref<!tpu.dma_semaphore, #tpu.memory_space<semaphore_mem>>) src(%dma_wait3A_226 : memref<128xi32, #tpu.memory_space<hbm>>) dst(%dma_wait3A_225 : memref<128xi32, #tpu.memory_space<vmem>>)
      tpu.yield
    }) : () -> ()
    %dma_start3A = arith.constant 0 : i32
    %dma_start3A_12 = arith.constant 0 : i32
    %dma_start3A_13 = tpu.memref_slice %arg6[%dma_start3A, %dma_start3A_12] : memref<4x128xi32, #tpu.memory_space<vmem>> -> memref<1x128xi32, #tpu.memory_space<vmem>>
    %dma_start3A_14 = tpu.memref_squeeze %dma_start3A_13 : memref<1x128xi32, #tpu.memory_space<vmem>> -> memref<128xi32, #tpu.memory_space<vmem>>
    %dma_start3A_15 = arith.constant 0 : i32
    %dma_start3A_16 = arith.constant 0 : i32
    %dma_start3A_17 = tpu.memref_slice %arg2[%dma_start3A_15, %dma_start3A_16] : memref<8192x256xf32, #tpu.memory_space<hbm>> -> memref<8192x256xf32, #tpu.memory_space<hbm>>
    tpu.enqueue_indirect_dma source(%dma_start3A_17 : memref<8192x256xf32, #tpu.memory_space<hbm>>) target(%arg7 : memref<128x256xf32, #tpu.memory_space<vmem>>) offsets(%dma_start3A_14 : memref<128xi32, #tpu.memory_space<vmem>>) semaphore(%arg9 : memref<!tpu.dma_semaphore, #tpu.memory_space<semaphore_mem>>)
    %dma_wait3A = arith.constant 0 : i32
    %dma_wait3A_18 = arith.constant 0 : i32
    %dma_wait3A_19 = tpu.memref_slice %arg6[%dma_wait3A, %dma_wait3A_18] : memref<4x128xi32, #tpu.memory_space<vmem>> -> memref<1x128xi32, #tpu.memory_space<vmem>>
    %dma_wait3A_20 = tpu.memref_squeeze %dma_wait3A_19 : memref<1x128xi32, #tpu.memory_space<vmem>> -> memref<128xi32, #tpu.memory_space<vmem>>
    %dma_wait3A_21 = arith.constant 0 : i32
    %dma_wait3A_22 = arith.constant 0 : i32
    %dma_wait3A_23 = tpu.memref_slice %arg2[%dma_wait3A_21, %dma_wait3A_22] : memref<8192x256xf32, #tpu.memory_space<hbm>> -> memref<8192x256xf32, #tpu.memory_space<hbm>>
    tpu.wait_indirect_dma semaphore(%arg9 : memref<!tpu.dma_semaphore, #tpu.memory_space<semaphore_mem>>) src(%dma_wait3A_23 : memref<8192x256xf32, #tpu.memory_space<hbm>>) dst(%arg7 : memref<128x256xf32, #tpu.memory_space<vmem>>)
    %add3A_24 = arith.constant 0 : i32
    %add3A_25 = arith.addi %mul3A_2, %add3A_24 : i32
    "tpu.region"() ({
      %run_scoped3A_210 = tpu.sem_alloc : memref<!tpu.dma_semaphore, #tpu.memory_space<semaphore_mem>>
      %dma_start3A_211 = arith.constant 0 : i32
      %dma_start3A_212 = tpu.memref_slice %arg4[%add3A_25, %dma_start3A_211] : memref<16384x256xf32, #tpu.memory_space<hbm>> -> memref<128x256xf32, #tpu.memory_space<hbm>>
      %dma_start3A_213 = arith.constant 0 : i32
      %dma_start3A_214 = tpu.memref_slice %arg4[%add3A_25, %dma_start3A_213] : memref<16384x256xf32, #tpu.memory_space<hbm>> -> memref<128x256xf32, #tpu.memory_space<hbm>>
      tpu.enqueue_dma source(%arg7 : memref<128x256xf32, #tpu.memory_space<vmem>>) target(%dma_start3A_214 : memref<128x256xf32, #tpu.memory_space<hbm>>) target_semaphore(%run_scoped3A_210 : memref<!tpu.dma_semaphore, #tpu.memory_space<semaphore_mem>>)
      %dma_wait3A_215 = arith.constant 0 : i32
      %dma_wait3A_216 = tpu.memref_slice %arg4[%add3A_25, %dma_wait3A_215] : memref<16384x256xf32, #tpu.memory_space<hbm>> -> memref<128x256xf32, #tpu.memory_space<hbm>>
      %dma_wait3A_217 = arith.constant 0 : i32
      %dma_wait3A_218 = tpu.memref_slice %arg4[%add3A_25, %dma_wait3A_217] : memref<16384x256xf32, #tpu.memory_space<hbm>> -> memref<128x256xf32, #tpu.memory_space<hbm>>
      tpu.wait_dma2 semaphore(%run_scoped3A_210 : memref<!tpu.dma_semaphore, #tpu.memory_space<semaphore_mem>>) src(%arg7 : memref<128x256xf32, #tpu.memory_space<vmem>>) dst(%dma_wait3A_218 : memref<128x256xf32, #tpu.memory_space<hbm>>)
      tpu.yield
    }) : () -> ()
    %get3A = arith.constant 0 : i32
    %get3A_26 = arith.index_cast %get3A : i32 to index
    %get3A_27 = arith.constant 0 : index
    %get3A_28 = tpu.vector_load %arg6[%get3A_26, %get3A_27] {strides = array<i32>} : memref<4x128xi32, #tpu.memory_space<vmem>>, vector<16xi32>,
    tpu.vector_store_idx %arg8[%get3A_28], %broadcast_in_dim3A_9 {add = true} : memref<8192xf32, #tpu.memory_space<vmem>>[vector<16xi32>], vector<16xf32>,
    %get3A_29 = arith.constant 0 : i32
    %get3A_30 = arith.index_cast %get3A_29 : i32 to index
    %get3A_31 = arith.constant 16 : index
    %get3A_32 = tpu.vector_load %arg6[%get3A_30, %get3A_31] {strides = array<i32>} : memref<4x128xi32, #tpu.memory_space<vmem>>, vector<16xi32>,
    tpu.vector_store_idx %arg8[%get3A_32], %broadcast_in_dim3A_9 {add = true} : memref<8192xf32, #tpu.memory_space<vmem>>[vector<16xi32>], vector<16xf32>,
    %get3A_33 = arith.constant 0 : i32
    %get3A_34 = arith.index_cast %get3A_33 : i32 to index
    %get3A_35 = arith.constant 32 : index
    %get3A_36 = tpu.vector_load %arg6[%get3A_34, %get3A_35] {strides = array<i32>} : memref<4x128xi32, #tpu.memory_space<vmem>>, vector<16xi32>,
    tpu.vector_store_idx %arg8[%get3A_36], %broadcast_in_dim3A_9 {add = true} : memref<8192xf32, #tpu.memory_space<vmem>>[vector<16xi32>], vector<16xf32>,
    %get3A_37 = arith.constant 0 : i32
    %get3A_38 = arith.index_cast %get3A_37 : i32 to index
    %get3A_39 = arith.constant 48 : index
    %get3A_40 = tpu.vector_load %arg6[%get3A_38, %get3A_39] {strides = array<i32>} : memref<4x128xi32, #tpu.memory_space<vmem>>, vector<16xi32>,
    tpu.vector_store_idx %arg8[%get3A_40], %broadcast_in_dim3A_9 {add = true} : memref<8192xf32, #tpu.memory_space<vmem>>[vector<16xi32>], vector<16xf32>,
    %get3A_41 = arith.constant 0 : i32
    %get3A_42 = arith.index_cast %get3A_41 : i32 to index
    %get3A_43 = arith.constant 64 : index
    %get3A_44 = tpu.vector_load %arg6[%get3A_42, %get3A_43] {strides = array<i32>} : memref<4x128xi32, #tpu.memory_space<vmem>>, vector<16xi32>,
    tpu.vector_store_idx %arg8[%get3A_44], %broadcast_in_dim3A_9 {add = true} : memref<8192xf32, #tpu.memory_space<vmem>>[vector<16xi32>], vector<16xf32>,
    %get3A_45 = arith.constant 0 : i32
    %get3A_46 = arith.index_cast %get3A_45 : i32 to index
    %get3A_47 = arith.constant 80 : index
    %get3A_48 = tpu.vector_load %arg6[%get3A_46, %get3A_47] {strides = array<i32>} : memref<4x128xi32, #tpu.memory_space<vmem>>, vector<16xi32>,
    tpu.vector_store_idx %arg8[%get3A_48], %broadcast_in_dim3A_9 {add = true} : memref<8192xf32, #tpu.memory_space<vmem>>[vector<16xi32>], vector<16xf32>,
    %get3A_49 = arith.constant 0 : i32
    %get3A_50 = arith.index_cast %get3A_49 : i32 to index
    %get3A_51 = arith.constant 96 : index
    %get3A_52 = tpu.vector_load %arg6[%get3A_50, %get3A_51] {strides = array<i32>} : memref<4x128xi32, #tpu.memory_space<vmem>>, vector<16xi32>,
    tpu.vector_store_idx %arg8[%get3A_52], %broadcast_in_dim3A_9 {add = true} : memref<8192xf32, #tpu.memory_space<vmem>>[vector<16xi32>], vector<16xf32>,
    %get3A_53 = arith.constant 0 : i32
    %get3A_54 = arith.index_cast %get3A_53 : i32 to index
    %get3A_55 = arith.constant 112 : index
    %get3A_56 = tpu.vector_load %arg6[%get3A_54, %get3A_55] {strides = array<i32>} : memref<4x128xi32, #tpu.memory_space<vmem>>, vector<16xi32>,
    tpu.vector_store_idx %arg8[%get3A_56], %broadcast_in_dim3A_9 {add = true} : memref<8192xf32, #tpu.memory_space<vmem>>[vector<16xi32>], vector<16xf32>,
    %add3A_57 = arith.constant 128 : i32
    %add3A_58 = arith.addi %mul3A_2, %add3A_57 : i32
    %run_scoped3A_59 = arith.constant 1 : i32
    "tpu.region"() ({
      %run_scoped3A_210 = tpu.sem_alloc : memref<!tpu.dma_semaphore, #tpu.memory_space<semaphore_mem>>
      %dma_start3A_211 = arith.constant 0 : i32
      %dma_start3A_212 = tpu.memref_slice %arg6[%run_scoped3A_59, %dma_start3A_211] : memref<4x128xi32, #tpu.memory_space<vmem>> -> memref<1x128xi32, #tpu.memory_space<vmem>>
      %dma_start3A_213 = tpu.memref_squeeze %dma_start3A_212 : memref<1x128xi32, #tpu.memory_space<vmem>> -> memref<128xi32, #tpu.memory_space<vmem>>
      %dma_start3A_214 = tpu.memref_slice %arg3[%add3A_58] : memref<16384xi32, #tpu.memory_space<hbm>> -> memref<128xi32, #tpu.memory_space<hbm>>
      %dma_start3A_215 = arith.constant 0 : i32
      %dma_start3A_216 = tpu.memref_slice %arg6[%run_scoped3A_59, %dma_start3A_215] : memref<4x128xi32, #tpu.memory_space<vmem>> -> memref<1x128xi32, #tpu.memory_space<vmem>>
      %dma_start3A_217 = tpu.memref_squeeze %dma_start3A_216 : memref<1x128xi32, #tpu.memory_space<vmem>> -> memref<128xi32, #tpu.memory_space<vmem>>
      %dma_start3A_218 = tpu.memref_slice %arg3[%add3A_58] : memref<16384xi32, #tpu.memory_space<hbm>> -> memref<128xi32, #tpu.memory_space<hbm>>
      tpu.enqueue_dma source(%dma_start3A_218 : memref<128xi32, #tpu.memory_space<hbm>>) target(%dma_start3A_217 : memref<128xi32, #tpu.memory_space<vmem>>) target_semaphore(%run_scoped3A_210 : memref<!tpu.dma_semaphore, #tpu.memory_space<semaphore_mem>>)
      %dma_wait3A_219 = arith.constant 0 : i32
      %dma_wait3A_220 = tpu.memref_slice %arg6[%run_scoped3A_59, %dma_wait3A_219] : memref<4x128xi32, #tpu.memory_space<vmem>> -> memref<1x128xi32, #tpu.memory_space<vmem>>
      %dma_wait3A_221 = tpu.memref_squeeze %dma_wait3A_220 : memref<1x128xi32, #tpu.memory_space<vmem>> -> memref<128xi32, #tpu.memory_space<vmem>>
      %dma_wait3A_222 = tpu.memref_slice %arg3[%add3A_58] : memref<16384xi32, #tpu.memory_space<hbm>> -> memref<128xi32, #tpu.memory_space<hbm>>
      %dma_wait3A_223 = arith.constant 0 : i32
      %dma_wait3A_224 = tpu.memref_slice %arg6[%run_scoped3A_59, %dma_wait3A_223] : memref<4x128xi32, #tpu.memory_space<vmem>> -> memref<1x128xi32, #tpu.memory_space<vmem>>
      %dma_wait3A_225 = tpu.memref_squeeze %dma_wait3A_224 : memref<1x128xi32, #tpu.memory_space<vmem>> -> memref<128xi32, #tpu.memory_space<vmem>>
      %dma_wait3A_226 = tpu.memref_slice %arg3[%add3A_58] : memref<16384xi32, #tpu.memory_space<hbm>> -> memref<128xi32, #tpu.memory_space<hbm>>
      tpu.wait_dma2 semaphore(%run_scoped3A_210 : memref<!tpu.dma_semaphore, #tpu.memory_space<semaphore_mem>>) src(%dma_wait3A_226 : memref<128xi32, #tpu.memory_space<hbm>>) dst(%dma_wait3A_225 : memref<128xi32, #tpu.memory_space<vmem>>)
      tpu.yield
    }) : () -> ()
    %dma_start3A_60 = arith.constant 1 : i32
    %dma_start3A_61 = arith.constant 0 : i32
    %dma_start3A_62 = tpu.memref_slice %arg6[%dma_start3A_60, %dma_start3A_61] : memref<4x128xi32, #tpu.memory_space<vmem>> -> memref<1x128xi32, #tpu.memory_space<vmem>>
    %dma_start3A_63 = tpu.memref_squeeze %dma_start3A_62 : memref<1x128xi32, #tpu.memory_space<vmem>> -> memref<128xi32, #tpu.memory_space<vmem>>
    %dma_start3A_64 = arith.constant 0 : i32
    %dma_start3A_65 = arith.constant 0 : i32
    %dma_start3A_66 = tpu.memref_slice %arg2[%dma_start3A_64, %dma_start3A_65] : memref<8192x256xf32, #tpu.memory_space<hbm>> -> memref<8192x256xf32, #tpu.memory_space<hbm>>
    tpu.enqueue_indirect_dma source(%dma_start3A_66 : memref<8192x256xf32, #tpu.memory_space<hbm>>) target(%arg7 : memref<128x256xf32, #tpu.memory_space<vmem>>) offsets(%dma_start3A_63 : memref<128xi32, #tpu.memory_space<vmem>>) semaphore(%arg9 : memref<!tpu.dma_semaphore, #tpu.memory_space<semaphore_mem>>)
    %dma_wait3A_67 = arith.constant 1 : i32
    %dma_wait3A_68 = arith.constant 0 : i32
    %dma_wait3A_69 = tpu.memref_slice %arg6[%dma_wait3A_67, %dma_wait3A_68] : memref<4x128xi32, #tpu.memory_space<vmem>> -> memref<1x128xi32, #tpu.memory_space<vmem>>
    %dma_wait3A_70 = tpu.memref_squeeze %dma_wait3A_69 : memref<1x128xi32, #tpu.memory_space<vmem>> -> memref<128xi32, #tpu.memory_space<vmem>>
    %dma_wait3A_71 = arith.constant 0 : i32
    %dma_wait3A_72 = arith.constant 0 : i32
    %dma_wait3A_73 = tpu.memref_slice %arg2[%dma_wait3A_71, %dma_wait3A_72] : memref<8192x256xf32, #tpu.memory_space<hbm>> -> memref<8192x256xf32, #tpu.memory_space<hbm>>
    tpu.wait_indirect_dma semaphore(%arg9 : memref<!tpu.dma_semaphore, #tpu.memory_space<semaphore_mem>>) src(%dma_wait3A_73 : memref<8192x256xf32, #tpu.memory_space<hbm>>) dst(%arg7 : memref<128x256xf32, #tpu.memory_space<vmem>>)
    %add3A_74 = arith.constant 128 : i32
    %add3A_75 = arith.addi %mul3A_2, %add3A_74 : i32
    "tpu.region"() ({
      %run_scoped3A_210 = tpu.sem_alloc : memref<!tpu.dma_semaphore, #tpu.memory_space<semaphore_mem>>
      %dma_start3A_211 = arith.constant 0 : i32
      %dma_start3A_212 = tpu.memref_slice %arg4[%add3A_75, %dma_start3A_211] : memref<16384x256xf32, #tpu.memory_space<hbm>> -> memref<128x256xf32, #tpu.memory_space<hbm>>
      %dma_start3A_213 = arith.constant 0 : i32
      %dma_start3A_214 = tpu.memref_slice %arg4[%add3A_75, %dma_start3A_213] : memref<16384x256xf32, #tpu.memory_space<hbm>> -> memref<128x256xf32, #tpu.memory_space<hbm>>
      tpu.enqueue_dma source(%arg7 : memref<128x256xf32, #tpu.memory_space<vmem>>) target(%dma_start3A_214 : memref<128x256xf32, #tpu.memory_space<hbm>>) target_semaphore(%run_scoped3A_210 : memref<!tpu.dma_semaphore, #tpu.memory_space<semaphore_mem>>)
      %dma_wait3A_215 = arith.constant 0 : i32
      %dma_wait3A_216 = tpu.memref_slice %arg4[%add3A_75, %dma_wait3A_215] : memref<16384x256xf32, #tpu.memory_space<hbm>> -> memref<128x256xf32, #tpu.memory_space<hbm>>
      %dma_wait3A_217 = arith.constant 0 : i32
      %dma_wait3A_218 = tpu.memref_slice %arg4[%add3A_75, %dma_wait3A_217] : memref<16384x256xf32, #tpu.memory_space<hbm>> -> memref<128x256xf32, #tpu.memory_space<hbm>>
      tpu.wait_dma2 semaphore(%run_scoped3A_210 : memref<!tpu.dma_semaphore, #tpu.memory_space<semaphore_mem>>) src(%arg7 : memref<128x256xf32, #tpu.memory_space<vmem>>) dst(%dma_wait3A_218 : memref<128x256xf32, #tpu.memory_space<hbm>>)
      tpu.yield
    }) : () -> ()
    %get3A_76 = arith.constant 1 : i32
    %get3A_77 = arith.index_cast %get3A_76 : i32 to index
    %get3A_78 = arith.constant 0 : index
    %get3A_79 = tpu.vector_load %arg6[%get3A_77, %get3A_78] {strides = array<i32>} : memref<4x128xi32, #tpu.memory_space<vmem>>, vector<16xi32>,
    tpu.vector_store_idx %arg8[%get3A_79], %broadcast_in_dim3A_9 {add = true} : memref<8192xf32, #tpu.memory_space<vmem>>[vector<16xi32>], vector<16xf32>,
    %get3A_80 = arith.constant 1 : i32
    %get3A_81 = arith.index_cast %get3A_80 : i32 to index
    %get3A_82 = arith.constant 16 : index
    %get3A_83 = tpu.vector_load %arg6[%get3A_81, %get3A_82] {strides = array<i32>} : memref<4x128xi32, #tpu.memory_space<vmem>>, vector<16xi32>,
    tpu.vector_store_idx %arg8[%get3A_83], %broadcast_in_dim3A_9 {add = true} : memref<8192xf32, #tpu.memory_space<vmem>>[vector<16xi32>], vector<16xf32>,
    %get3A_84 = arith.constant 1 : i32
    %get3A_85 = arith.index_cast %get3A_84 : i32 to index
    %get3A_86 = arith.constant 32 : index
    %get3A_87 = tpu.vector_load %arg6[%get3A_85, %get3A_86] {strides = array<i32>} : memref<4x128xi32, #tpu.memory_space<vmem>>, vector<16xi32>,
    tpu.vector_store_idx %arg8[%get3A_87], %broadcast_in_dim3A_9 {add = true} : memref<8192xf32, #tpu.memory_space<vmem>>[vector<16xi32>], vector<16xf32>,
    %get3A_88 = arith.constant 1 : i32
    %get3A_89 = arith.index_cast %get3A_88 : i32 to index
    %get3A_90 = arith.constant 48 : index
    %get3A_91 = tpu.vector_load %arg6[%get3A_89, %get3A_90] {strides = array<i32>} : memref<4x128xi32, #tpu.memory_space<vmem>>, vector<16xi32>,
    tpu.vector_store_idx %arg8[%get3A_91], %broadcast_in_dim3A_9 {add = true} : memref<8192xf32, #tpu.memory_space<vmem>>[vector<16xi32>], vector<16xf32>,
    %get3A_92 = arith.constant 1 : i32
    %get3A_93 = arith.index_cast %get3A_92 : i32 to index
    %get3A_94 = arith.constant 64 : index
    %get3A_95 = tpu.vector_load %arg6[%get3A_93, %get3A_94] {strides = array<i32>} : memref<4x128xi32, #tpu.memory_space<vmem>>, vector<16xi32>,
    tpu.vector_store_idx %arg8[%get3A_95], %broadcast_in_dim3A_9 {add = true} : memref<8192xf32, #tpu.memory_space<vmem>>[vector<16xi32>], vector<16xf32>,
    %get3A_96 = arith.constant 1 : i32
    %get3A_97 = arith.index_cast %get3A_96 : i32 to index
    %get3A_98 = arith.constant 80 : index
    %get3A_99 = tpu.vector_load %arg6[%get3A_97, %get3A_98] {strides = array<i32>} : memref<4x128xi32, #tpu.memory_space<vmem>>, vector<16xi32>,
    tpu.vector_store_idx %arg8[%get3A_99], %broadcast_in_dim3A_9 {add = true} : memref<8192xf32, #tpu.memory_space<vmem>>[vector<16xi32>], vector<16xf32>,
    %get3A_100 = arith.constant 1 : i32
    %get3A_101 = arith.index_cast %get3A_100 : i32 to index
    %get3A_102 = arith.constant 96 : index
    %get3A_103 = tpu.vector_load %arg6[%get3A_101, %get3A_102] {strides = array<i32>} : memref<4x128xi32, #tpu.memory_space<vmem>>, vector<16xi32>,
    tpu.vector_store_idx %arg8[%get3A_103], %broadcast_in_dim3A_9 {add = true} : memref<8192xf32, #tpu.memory_space<vmem>>[vector<16xi32>], vector<16xf32>,
    %get3A_104 = arith.constant 1 : i32
    %get3A_105 = arith.index_cast %get3A_104 : i32 to index
    %get3A_106 = arith.constant 112 : index
    %get3A_107 = tpu.vector_load %arg6[%get3A_105, %get3A_106] {strides = array<i32>} : memref<4x128xi32, #tpu.memory_space<vmem>>, vector<16xi32>,
    tpu.vector_store_idx %arg8[%get3A_107], %broadcast_in_dim3A_9 {add = true} : memref<8192xf32, #tpu.memory_space<vmem>>[vector<16xi32>], vector<16xf32>,
    %add3A_108 = arith.constant 256 : i32
    %add3A_109 = arith.addi %mul3A_2, %add3A_108 : i32
    %run_scoped3A_110 = arith.constant 2 : i32
    "tpu.region"() ({
      %run_scoped3A_210 = tpu.sem_alloc : memref<!tpu.dma_semaphore, #tpu.memory_space<semaphore_mem>>
      %dma_start3A_211 = arith.constant 0 : i32
      %dma_start3A_212 = tpu.memref_slice %arg6[%run_scoped3A_110, %dma_start3A_211] : memref<4x128xi32, #tpu.memory_space<vmem>> -> memref<1x128xi32, #tpu.memory_space<vmem>>
      %dma_start3A_213 = tpu.memref_squeeze %dma_start3A_212 : memref<1x128xi32, #tpu.memory_space<vmem>> -> memref<128xi32, #tpu.memory_space<vmem>>
      %dma_start3A_214 = tpu.memref_slice %arg3[%add3A_109] : memref<16384xi32, #tpu.memory_space<hbm>> -> memref<128xi32, #tpu.memory_space<hbm>>
      %dma_start3A_215 = arith.constant 0 : i32
      %dma_start3A_216 = tpu.memref_slice %arg6[%run_scoped3A_110, %dma_start3A_215] : memref<4x128xi32, #tpu.memory_space<vmem>> -> memref<1x128xi32, #tpu.memory_space<vmem>>
      %dma_start3A_217 = tpu.memref_squeeze %dma_start3A_216 : memref<1x128xi32, #tpu.memory_space<vmem>> -> memref<128xi32, #tpu.memory_space<vmem>>
      %dma_start3A_218 = tpu.memref_slice %arg3[%add3A_109] : memref<16384xi32, #tpu.memory_space<hbm>> -> memref<128xi32, #tpu.memory_space<hbm>>
      tpu.enqueue_dma source(%dma_start3A_218 : memref<128xi32, #tpu.memory_space<hbm>>) target(%dma_start3A_217 : memref<128xi32, #tpu.memory_space<vmem>>) target_semaphore(%run_scoped3A_210 : memref<!tpu.dma_semaphore, #tpu.memory_space<semaphore_mem>>)
      %dma_wait3A_219 = arith.constant 0 : i32
      %dma_wait3A_220 = tpu.memref_slice %arg6[%run_scoped3A_110, %dma_wait3A_219] : memref<4x128xi32, #tpu.memory_space<vmem>> -> memref<1x128xi32, #tpu.memory_space<vmem>>
      %dma_wait3A_221 = tpu.memref_squeeze %dma_wait3A_220 : memref<1x128xi32, #tpu.memory_space<vmem>> -> memref<128xi32, #tpu.memory_space<vmem>>
      %dma_wait3A_222 = tpu.memref_slice %arg3[%add3A_109] : memref<16384xi32, #tpu.memory_space<hbm>> -> memref<128xi32, #tpu.memory_space<hbm>>
      %dma_wait3A_223 = arith.constant 0 : i32
      %dma_wait3A_224 = tpu.memref_slice %arg6[%run_scoped3A_110, %dma_wait3A_223] : memref<4x128xi32, #tpu.memory_space<vmem>> -> memref<1x128xi32, #tpu.memory_space<vmem>>
      %dma_wait3A_225 = tpu.memref_squeeze %dma_wait3A_224 : memref<1x128xi32, #tpu.memory_space<vmem>> -> memref<128xi32, #tpu.memory_space<vmem>>
      %dma_wait3A_226 = tpu.memref_slice %arg3[%add3A_109] : memref<16384xi32, #tpu.memory_space<hbm>> -> memref<128xi32, #tpu.memory_space<hbm>>
      tpu.wait_dma2 semaphore(%run_scoped3A_210 : memref<!tpu.dma_semaphore, #tpu.memory_space<semaphore_mem>>) src(%dma_wait3A_226 : memref<128xi32, #tpu.memory_space<hbm>>) dst(%dma_wait3A_225 : memref<128xi32, #tpu.memory_space<vmem>>)
      tpu.yield
    }) : () -> ()
    %dma_start3A_111 = arith.constant 2 : i32
    %dma_start3A_112 = arith.constant 0 : i32
    %dma_start3A_113 = tpu.memref_slice %arg6[%dma_start3A_111, %dma_start3A_112] : memref<4x128xi32, #tpu.memory_space<vmem>> -> memref<1x128xi32, #tpu.memory_space<vmem>>
    %dma_start3A_114 = tpu.memref_squeeze %dma_start3A_113 : memref<1x128xi32, #tpu.memory_space<vmem>> -> memref<128xi32, #tpu.memory_space<vmem>>
    %dma_start3A_115 = arith.constant 0 : i32
    %dma_start3A_116 = arith.constant 0 : i32
    %dma_start3A_117 = tpu.memref_slice %arg2[%dma_start3A_115, %dma_start3A_116] : memref<8192x256xf32, #tpu.memory_space<hbm>> -> memref<8192x256xf32, #tpu.memory_space<hbm>>
    tpu.enqueue_indirect_dma source(%dma_start3A_117 : memref<8192x256xf32, #tpu.memory_space<hbm>>) target(%arg7 : memref<128x256xf32, #tpu.memory_space<vmem>>) offsets(%dma_start3A_114 : memref<128xi32, #tpu.memory_space<vmem>>) semaphore(%arg9 : memref<!tpu.dma_semaphore, #tpu.memory_space<semaphore_mem>>)
    %dma_wait3A_118 = arith.constant 2 : i32
    %dma_wait3A_119 = arith.constant 0 : i32
    %dma_wait3A_120 = tpu.memref_slice %arg6[%dma_wait3A_118, %dma_wait3A_119] : memref<4x128xi32, #tpu.memory_space<vmem>> -> memref<1x128xi32, #tpu.memory_space<vmem>>
    %dma_wait3A_121 = tpu.memref_squeeze %dma_wait3A_120 : memref<1x128xi32, #tpu.memory_space<vmem>> -> memref<128xi32, #tpu.memory_space<vmem>>
    %dma_wait3A_122 = arith.constant 0 : i32
    %dma_wait3A_123 = arith.constant 0 : i32
    %dma_wait3A_124 = tpu.memref_slice %arg2[%dma_wait3A_122, %dma_wait3A_123] : memref<8192x256xf32, #tpu.memory_space<hbm>> -> memref<8192x256xf32, #tpu.memory_space<hbm>>
    tpu.wait_indirect_dma semaphore(%arg9 : memref<!tpu.dma_semaphore, #tpu.memory_space<semaphore_mem>>) src(%dma_wait3A_124 : memref<8192x256xf32, #tpu.memory_space<hbm>>) dst(%arg7 : memref<128x256xf32, #tpu.memory_space<vmem>>)
    %add3A_125 = arith.constant 256 : i32
    %add3A_126 = arith.addi %mul3A_2, %add3A_125 : i32
    "tpu.region"() ({
      %run_scoped3A_210 = tpu.sem_alloc : memref<!tpu.dma_semaphore, #tpu.memory_space<semaphore_mem>>
      %dma_start3A_211 = arith.constant 0 : i32
      %dma_start3A_212 = tpu.memref_slice %arg4[%add3A_126, %dma_start3A_211] : memref<16384x256xf32, #tpu.memory_space<hbm>> -> memref<128x256xf32, #tpu.memory_space<hbm>>
      %dma_start3A_213 = arith.constant 0 : i32
      %dma_start3A_214 = tpu.memref_slice %arg4[%add3A_126, %dma_start3A_213] : memref<16384x256xf32, #tpu.memory_space<hbm>> -> memref<128x256xf32, #tpu.memory_space<hbm>>
      tpu.enqueue_dma source(%arg7 : memref<128x256xf32, #tpu.memory_space<vmem>>) target(%dma_start3A_214 : memref<128x256xf32, #tpu.memory_space<hbm>>) target_semaphore(%run_scoped3A_210 : memref<!tpu.dma_semaphore, #tpu.memory_space<semaphore_mem>>)
      %dma_wait3A_215 = arith.constant 0 : i32
      %dma_wait3A_216 = tpu.memref_slice %arg4[%add3A_126, %dma_wait3A_215] : memref<16384x256xf32, #tpu.memory_space<hbm>> -> memref<128x256xf32, #tpu.memory_space<hbm>>
      %dma_wait3A_217 = arith.constant 0 : i32
      %dma_wait3A_218 = tpu.memref_slice %arg4[%add3A_126, %dma_wait3A_217] : memref<16384x256xf32, #tpu.memory_space<hbm>> -> memref<128x256xf32, #tpu.memory_space<hbm>>
      tpu.wait_dma2 semaphore(%run_scoped3A_210 : memref<!tpu.dma_semaphore, #tpu.memory_space<semaphore_mem>>) src(%arg7 : memref<128x256xf32, #tpu.memory_space<vmem>>) dst(%dma_wait3A_218 : memref<128x256xf32, #tpu.memory_space<hbm>>)
      tpu.yield
    }) : () -> ()
    %get3A_127 = arith.constant 2 : i32
    %get3A_128 = arith.index_cast %get3A_127 : i32 to index
    %get3A_129 = arith.constant 0 : index
    %get3A_130 = tpu.vector_load %arg6[%get3A_128, %get3A_129] {strides = array<i32>} : memref<4x128xi32, #tpu.memory_space<vmem>>, vector<16xi32>,
    tpu.vector_store_idx %arg8[%get3A_130], %broadcast_in_dim3A_9 {add = true} : memref<8192xf32, #tpu.memory_space<vmem>>[vector<16xi32>], vector<16xf32>,
    %get3A_131 = arith.constant 2 : i32
    %get3A_132 = arith.index_cast %get3A_131 : i32 to index
    %get3A_133 = arith.constant 16 : index
    %get3A_134 = tpu.vector_load %arg6[%get3A_132, %get3A_133] {strides = array<i32>} : memref<4x128xi32, #tpu.memory_space<vmem>>, vector<16xi32>,
    tpu.vector_store_idx %arg8[%get3A_134], %broadcast_in_dim3A_9 {add = true} : memref<8192xf32, #tpu.memory_space<vmem>>[vector<16xi32>], vector<16xf32>,
    %get3A_135 = arith.constant 2 : i32
    %get3A_136 = arith.index_cast %get3A_135 : i32 to index
    %get3A_137 = arith.constant 32 : index
    %get3A_138 = tpu.vector_load %arg6[%get3A_136, %get3A_137] {strides = array<i32>} : memref<4x128xi32, #tpu.memory_space<vmem>>, vector<16xi32>,
    tpu.vector_store_idx %arg8[%get3A_138], %broadcast_in_dim3A_9 {add = true} : memref<8192xf32, #tpu.memory_space<vmem>>[vector<16xi32>], vector<16xf32>,
    %get3A_139 = arith.constant 2 : i32
    %get3A_140 = arith.index_cast %get3A_139 : i32 to index
    %get3A_141 = arith.constant 48 : index
    %get3A_142 = tpu.vector_load %arg6[%get3A_140, %get3A_141] {strides = array<i32>} : memref<4x128xi32, #tpu.memory_space<vmem>>, vector<16xi32>,
    tpu.vector_store_idx %arg8[%get3A_142], %broadcast_in_dim3A_9 {add = true} : memref<8192xf32, #tpu.memory_space<vmem>>[vector<16xi32>], vector<16xf32>,
    %get3A_143 = arith.constant 2 : i32
    %get3A_144 = arith.index_cast %get3A_143 : i32 to index
    %get3A_145 = arith.constant 64 : index
    %get3A_146 = tpu.vector_load %arg6[%get3A_144, %get3A_145] {strides = array<i32>} : memref<4x128xi32, #tpu.memory_space<vmem>>, vector<16xi32>,
    tpu.vector_store_idx %arg8[%get3A_146], %broadcast_in_dim3A_9 {add = true} : memref<8192xf32, #tpu.memory_space<vmem>>[vector<16xi32>], vector<16xf32>,
    %get3A_147 = arith.constant 2 : i32
    %get3A_148 = arith.index_cast %get3A_147 : i32 to index
    %get3A_149 = arith.constant 80 : index
    %get3A_150 = tpu.vector_load %arg6[%get3A_148, %get3A_149] {strides = array<i32>} : memref<4x128xi32, #tpu.memory_space<vmem>>, vector<16xi32>,
    tpu.vector_store_idx %arg8[%get3A_150], %broadcast_in_dim3A_9 {add = true} : memref<8192xf32, #tpu.memory_space<vmem>>[vector<16xi32>], vector<16xf32>,
    %get3A_151 = arith.constant 2 : i32
    %get3A_152 = arith.index_cast %get3A_151 : i32 to index
    %get3A_153 = arith.constant 96 : index
    %get3A_154 = tpu.vector_load %arg6[%get3A_152, %get3A_153] {strides = array<i32>} : memref<4x128xi32, #tpu.memory_space<vmem>>, vector<16xi32>,
    tpu.vector_store_idx %arg8[%get3A_154], %broadcast_in_dim3A_9 {add = true} : memref<8192xf32, #tpu.memory_space<vmem>>[vector<16xi32>], vector<16xf32>,
    %get3A_155 = arith.constant 2 : i32
    %get3A_156 = arith.index_cast %get3A_155 : i32 to index
    %get3A_157 = arith.constant 112 : index
    %get3A_158 = tpu.vector_load %arg6[%get3A_156, %get3A_157] {strides = array<i32>} : memref<4x128xi32, #tpu.memory_space<vmem>>, vector<16xi32>,
    tpu.vector_store_idx %arg8[%get3A_158], %broadcast_in_dim3A_9 {add = true} : memref<8192xf32, #tpu.memory_space<vmem>>[vector<16xi32>], vector<16xf32>,
    %add3A_159 = arith.constant 384 : i32
    %add3A_160 = arith.addi %mul3A_2, %add3A_159 : i32
    %run_scoped3A_161 = arith.constant 3 : i32
    "tpu.region"() ({
      %run_scoped3A_210 = tpu.sem_alloc : memref<!tpu.dma_semaphore, #tpu.memory_space<semaphore_mem>>
      %dma_start3A_211 = arith.constant 0 : i32
      %dma_start3A_212 = tpu.memref_slice %arg6[%run_scoped3A_161, %dma_start3A_211] : memref<4x128xi32, #tpu.memory_space<vmem>> -> memref<1x128xi32, #tpu.memory_space<vmem>>
      %dma_start3A_213 = tpu.memref_squeeze %dma_start3A_212 : memref<1x128xi32, #tpu.memory_space<vmem>> -> memref<128xi32, #tpu.memory_space<vmem>>
      %dma_start3A_214 = tpu.memref_slice %arg3[%add3A_160] : memref<16384xi32, #tpu.memory_space<hbm>> -> memref<128xi32, #tpu.memory_space<hbm>>
      %dma_start3A_215 = arith.constant 0 : i32
      %dma_start3A_216 = tpu.memref_slice %arg6[%run_scoped3A_161, %dma_start3A_215] : memref<4x128xi32, #tpu.memory_space<vmem>> -> memref<1x128xi32, #tpu.memory_space<vmem>>
      %dma_start3A_217 = tpu.memref_squeeze %dma_start3A_216 : memref<1x128xi32, #tpu.memory_space<vmem>> -> memref<128xi32, #tpu.memory_space<vmem>>
      %dma_start3A_218 = tpu.memref_slice %arg3[%add3A_160] : memref<16384xi32, #tpu.memory_space<hbm>> -> memref<128xi32, #tpu.memory_space<hbm>>
      tpu.enqueue_dma source(%dma_start3A_218 : memref<128xi32, #tpu.memory_space<hbm>>) target(%dma_start3A_217 : memref<128xi32, #tpu.memory_space<vmem>>) target_semaphore(%run_scoped3A_210 : memref<!tpu.dma_semaphore, #tpu.memory_space<semaphore_mem>>)
      %dma_wait3A_219 = arith.constant 0 : i32
      %dma_wait3A_220 = tpu.memref_slice %arg6[%run_scoped3A_161, %dma_wait3A_219] : memref<4x128xi32, #tpu.memory_space<vmem>> -> memref<1x128xi32, #tpu.memory_space<vmem>>
      %dma_wait3A_221 = tpu.memref_squeeze %dma_wait3A_220 : memref<1x128xi32, #tpu.memory_space<vmem>> -> memref<128xi32, #tpu.memory_space<vmem>>
      %dma_wait3A_222 = tpu.memref_slice %arg3[%add3A_160] : memref<16384xi32, #tpu.memory_space<hbm>> -> memref<128xi32, #tpu.memory_space<hbm>>
      %dma_wait3A_223 = arith.constant 0 : i32
      %dma_wait3A_224 = tpu.memref_slice %arg6[%run_scoped3A_161, %dma_wait3A_223] : memref<4x128xi32, #tpu.memory_space<vmem>> -> memref<1x128xi32, #tpu.memory_space<vmem>>
      %dma_wait3A_225 = tpu.memref_squeeze %dma_wait3A_224 : memref<1x128xi32, #tpu.memory_space<vmem>> -> memref<128xi32, #tpu.memory_space<vmem>>
      %dma_wait3A_226 = tpu.memref_slice %arg3[%add3A_160] : memref<16384xi32, #tpu.memory_space<hbm>> -> memref<128xi32, #tpu.memory_space<hbm>>
      tpu.wait_dma2 semaphore(%run_scoped3A_210 : memref<!tpu.dma_semaphore, #tpu.memory_space<semaphore_mem>>) src(%dma_wait3A_226 : memref<128xi32, #tpu.memory_space<hbm>>) dst(%dma_wait3A_225 : memref<128xi32, #tpu.memory_space<vmem>>)
      tpu.yield
    }) : () -> ()
    %dma_start3A_162 = arith.constant 3 : i32
    %dma_start3A_163 = arith.constant 0 : i32
    %dma_start3A_164 = tpu.memref_slice %arg6[%dma_start3A_162, %dma_start3A_163] : memref<4x128xi32, #tpu.memory_space<vmem>> -> memref<1x128xi32, #tpu.memory_space<vmem>>
    %dma_start3A_165 = tpu.memref_squeeze %dma_start3A_164 : memref<1x128xi32, #tpu.memory_space<vmem>> -> memref<128xi32, #tpu.memory_space<vmem>>
    %dma_start3A_166 = arith.constant 0 : i32
    %dma_start3A_167 = arith.constant 0 : i32
    %dma_start3A_168 = tpu.memref_slice %arg2[%dma_start3A_166, %dma_start3A_167] : memref<8192x256xf32, #tpu.memory_space<hbm>> -> memref<8192x256xf32, #tpu.memory_space<hbm>>
    tpu.enqueue_indirect_dma source(%dma_start3A_168 : memref<8192x256xf32, #tpu.memory_space<hbm>>) target(%arg7 : memref<128x256xf32, #tpu.memory_space<vmem>>) offsets(%dma_start3A_165 : memref<128xi32, #tpu.memory_space<vmem>>) semaphore(%arg9 : memref<!tpu.dma_semaphore, #tpu.memory_space<semaphore_mem>>)
    %dma_wait3A_169 = arith.constant 3 : i32
    %dma_wait3A_170 = arith.constant 0 : i32
    %dma_wait3A_171 = tpu.memref_slice %arg6[%dma_wait3A_169, %dma_wait3A_170] : memref<4x128xi32, #tpu.memory_space<vmem>> -> memref<1x128xi32, #tpu.memory_space<vmem>>
    %dma_wait3A_172 = tpu.memref_squeeze %dma_wait3A_171 : memref<1x128xi32, #tpu.memory_space<vmem>> -> memref<128xi32, #tpu.memory_space<vmem>>
    %dma_wait3A_173 = arith.constant 0 : i32
    %dma_wait3A_174 = arith.constant 0 : i32
    %dma_wait3A_175 = tpu.memref_slice %arg2[%dma_wait3A_173, %dma_wait3A_174] : memref<8192x256xf32, #tpu.memory_space<hbm>> -> memref<8192x256xf32, #tpu.memory_space<hbm>>
    tpu.wait_indirect_dma semaphore(%arg9 : memref<!tpu.dma_semaphore, #tpu.memory_space<semaphore_mem>>) src(%dma_wait3A_175 : memref<8192x256xf32, #tpu.memory_space<hbm>>) dst(%arg7 : memref<128x256xf32, #tpu.memory_space<vmem>>)
    %add3A_176 = arith.constant 384 : i32
    %add3A_177 = arith.addi %mul3A_2, %add3A_176 : i32
    "tpu.region"() ({
      %run_scoped3A_210 = tpu.sem_alloc : memref<!tpu.dma_semaphore, #tpu.memory_space<semaphore_mem>>
      %dma_start3A_211 = arith.constant 0 : i32
      %dma_start3A_212 = tpu.memref_slice %arg4[%add3A_177, %dma_start3A_211] : memref<16384x256xf32, #tpu.memory_space<hbm>> -> memref<128x256xf32, #tpu.memory_space<hbm>>
      %dma_start3A_213 = arith.constant 0 : i32
      %dma_start3A_214 = tpu.memref_slice %arg4[%add3A_177, %dma_start3A_213] : memref<16384x256xf32, #tpu.memory_space<hbm>> -> memref<128x256xf32, #tpu.memory_space<hbm>>
      tpu.enqueue_dma source(%arg7 : memref<128x256xf32, #tpu.memory_space<vmem>>) target(%dma_start3A_214 : memref<128x256xf32, #tpu.memory_space<hbm>>) target_semaphore(%run_scoped3A_210 : memref<!tpu.dma_semaphore, #tpu.memory_space<semaphore_mem>>)
      %dma_wait3A_215 = arith.constant 0 : i32
      %dma_wait3A_216 = tpu.memref_slice %arg4[%add3A_177, %dma_wait3A_215] : memref<16384x256xf32, #tpu.memory_space<hbm>> -> memref<128x256xf32, #tpu.memory_space<hbm>>
      %dma_wait3A_217 = arith.constant 0 : i32
      %dma_wait3A_218 = tpu.memref_slice %arg4[%add3A_177, %dma_wait3A_217] : memref<16384x256xf32, #tpu.memory_space<hbm>> -> memref<128x256xf32, #tpu.memory_space<hbm>>
      tpu.wait_dma2 semaphore(%run_scoped3A_210 : memref<!tpu.dma_semaphore, #tpu.memory_space<semaphore_mem>>) src(%arg7 : memref<128x256xf32, #tpu.memory_space<vmem>>) dst(%dma_wait3A_218 : memref<128x256xf32, #tpu.memory_space<hbm>>)
      tpu.yield
    }) : () -> ()
    %get3A_178 = arith.constant 3 : i32
    %get3A_179 = arith.index_cast %get3A_178 : i32 to index
    %get3A_180 = arith.constant 0 : index
    %get3A_181 = tpu.vector_load %arg6[%get3A_179, %get3A_180] {strides = array<i32>} : memref<4x128xi32, #tpu.memory_space<vmem>>, vector<16xi32>,
    tpu.vector_store_idx %arg8[%get3A_181], %broadcast_in_dim3A_9 {add = true} : memref<8192xf32, #tpu.memory_space<vmem>>[vector<16xi32>], vector<16xf32>,
    %get3A_182 = arith.constant 3 : i32
    %get3A_183 = arith.index_cast %get3A_182 : i32 to index
    %get3A_184 = arith.constant 16 : index
    %get3A_185 = tpu.vector_load %arg6[%get3A_183, %get3A_184] {strides = array<i32>} : memref<4x128xi32, #tpu.memory_space<vmem>>, vector<16xi32>,
    tpu.vector_store_idx %arg8[%get3A_185], %broadcast_in_dim3A_9 {add = true} : memref<8192xf32, #tpu.memory_space<vmem>>[vector<16xi32>], vector<16xf32>,
    %get3A_186 = arith.constant 3 : i32
    %get3A_187 = arith.index_cast %get3A_186 : i32 to index
    %get3A_188 = arith.constant 32 : index
    %get3A_189 = tpu.vector_load %arg6[%get3A_187, %get3A_188] {strides = array<i32>} : memref<4x128xi32, #tpu.memory_space<vmem>>, vector<16xi32>,
    tpu.vector_store_idx %arg8[%get3A_189], %broadcast_in_dim3A_9 {add = true} : memref<8192xf32, #tpu.memory_space<vmem>>[vector<16xi32>], vector<16xf32>,
    %get3A_190 = arith.constant 3 : i32
    %get3A_191 = arith.index_cast %get3A_190 : i32 to index
    %get3A_192 = arith.constant 48 : index
    %get3A_193 = tpu.vector_load %arg6[%get3A_191, %get3A_192] {strides = array<i32>} : memref<4x128xi32, #tpu.memory_space<vmem>>, vector<16xi32>,
    tpu.vector_store_idx %arg8[%get3A_193], %broadcast_in_dim3A_9 {add = true} : memref<8192xf32, #tpu.memory_space<vmem>>[vector<16xi32>], vector<16xf32>,
    %get3A_194 = arith.constant 3 : i32
    %get3A_195 = arith.index_cast %get3A_194 : i32 to index
    %get3A_196 = arith.constant 64 : index
    %get3A_197 = tpu.vector_load %arg6[%get3A_195, %get3A_196] {strides = array<i32>} : memref<4x128xi32, #tpu.memory_space<vmem>>, vector<16xi32>,
    tpu.vector_store_idx %arg8[%get3A_197], %broadcast_in_dim3A_9 {add = true} : memref<8192xf32, #tpu.memory_space<vmem>>[vector<16xi32>], vector<16xf32>,
    %get3A_198 = arith.constant 3 : i32
    %get3A_199 = arith.index_cast %get3A_198 : i32 to index
    %get3A_200 = arith.constant 80 : index
    %get3A_201 = tpu.vector_load %arg6[%get3A_199, %get3A_200] {strides = array<i32>} : memref<4x128xi32, #tpu.memory_space<vmem>>, vector<16xi32>,
    tpu.vector_store_idx %arg8[%get3A_201], %broadcast_in_dim3A_9 {add = true} : memref<8192xf32, #tpu.memory_space<vmem>>[vector<16xi32>], vector<16xf32>,
    %get3A_202 = arith.constant 3 : i32
    %get3A_203 = arith.index_cast %get3A_202 : i32 to index
    %get3A_204 = arith.constant 96 : index
    %get3A_205 = tpu.vector_load %arg6[%get3A_203, %get3A_204] {strides = array<i32>} : memref<4x128xi32, #tpu.memory_space<vmem>>, vector<16xi32>,
    tpu.vector_store_idx %arg8[%get3A_205], %broadcast_in_dim3A_9 {add = true} : memref<8192xf32, #tpu.memory_space<vmem>>[vector<16xi32>], vector<16xf32>,
    %get3A_206 = arith.constant 3 : i32
    %get3A_207 = arith.index_cast %get3A_206 : i32 to index
    %get3A_208 = arith.constant 112 : index
    %get3A_209 = tpu.vector_load %arg6[%get3A_207, %get3A_208] {strides = array<i32>} : memref<4x128xi32, #tpu.memory_space<vmem>>, vector<16xi32>,
    tpu.vector_store_idx %arg8[%get3A_209], %broadcast_in_dim3A_9 {add = true} : memref<8192xf32, #tpu.memory_space<vmem>>[vector<16xi32>], vector<16xf32>,
    "tpu.region"() ({
      %run_scoped3A_210 = tpu.sem_alloc : memref<!tpu.dma_semaphore, #tpu.memory_space<semaphore_mem>>
      %dma_start3A_211 = arith.constant 0 : i32
      %dma_start3A_212 = tpu.memref_slice %arg5[%add3A, %dma_start3A_211] : memref<32x8192xf32, #tpu.memory_space<hbm>> -> memref<1x8192xf32, #tpu.memory_space<hbm>>
      %dma_start3A_213 = tpu.memref_squeeze %dma_start3A_212 : memref<1x8192xf32, #tpu.memory_space<hbm>> -> memref<8192xf32, #tpu.memory_space<hbm>>
      %dma_start3A_214 = arith.constant 0 : i32
      %dma_start3A_215 = tpu.memref_slice %arg5[%add3A, %dma_start3A_214] : memref<32x8192xf32, #tpu.memory_space<hbm>> -> memref<1x8192xf32, #tpu.memory_space<hbm>>
      %dma_start3A_216 = tpu.memref_squeeze %dma_start3A_215 : memref<1x8192xf32, #tpu.memory_space<hbm>> -> memref<8192xf32, #tpu.memory_space<hbm>>
      tpu.enqueue_dma source(%arg8 : memref<8192xf32, #tpu.memory_space<vmem>>) target(%dma_start3A_216 : memref<8192xf32, #tpu.memory_space<hbm>>) target_semaphore(%run_scoped3A_210 : memref<!tpu.dma_semaphore, #tpu.memory_space<semaphore_mem>>)
      %dma_wait3A_217 = arith.constant 0 : i32
      %dma_wait3A_218 = tpu.memref_slice %arg5[%add3A, %dma_wait3A_217] : memref<32x8192xf32, #tpu.memory_space<hbm>> -> memref<1x8192xf32, #tpu.memory_space<hbm>>
      %dma_wait3A_219 = tpu.memref_squeeze %dma_wait3A_218 : memref<1x8192xf32, #tpu.memory_space<hbm>> -> memref<8192xf32, #tpu.memory_space<hbm>>
      %dma_wait3A_220 = arith.constant 0 : i32
      %dma_wait3A_221 = tpu.memref_slice %arg5[%add3A, %dma_wait3A_220] : memref<32x8192xf32, #tpu.memory_space<hbm>> -> memref<1x8192xf32, #tpu.memory_space<hbm>>
      %dma_wait3A_222 = tpu.memref_squeeze %dma_wait3A_221 : memref<1x8192xf32, #tpu.memory_space<hbm>> -> memref<8192xf32, #tpu.memory_space<hbm>>
      tpu.wait_dma2 semaphore(%run_scoped3A_210 : memref<!tpu.dma_semaphore, #tpu.memory_space<semaphore_mem>>) src(%arg8 : memref<8192xf32, #tpu.memory_space<vmem>>) dst(%dma_wait3A_222 : memref<8192xf32, #tpu.memory_space<hbm>>)
      tpu.yield
    }) : () -> ()
    return
  }
}

module attributes {stable_mosaic.version = 14 : i64} {
  func.func @_argmin_body(%arg0: i32, %arg1: i32, %arg2: memref<1024x1xf32, #tpu.memory_space<vmem>>, %arg3: memref<1x2048xf32, #tpu.memory_space<vmem>>, %arg4: memref<1024x256xbf16, #tpu.memory_space<vmem>>, %arg5: memref<2048x256xbf16, #tpu.memory_space<vmem>>, %arg6: memref<1x1x1024xi32, #tpu.memory_space<vmem>>, %arg7: memref<1x1xf32, #tpu.memory_space<smem>>, %arg8: memref<3x1024xf32, #tpu.memory_space<vmem>>, %arg9: memref<3x1024xi32, #tpu.memory_space<vmem>>) attributes {dimension_semantics = [#tpu.dimension_semantics<arbitrary>, #tpu.dimension_semantics<arbitrary>], iteration_bounds = array<i64: 16, 4>, scalar_prefetch = 0 : i64, scratch_operands = 2 : i64, tpu.core_type = #tpu.core_type<tc>, window_params = [{transform_indices = @transform_0, window_bounds = array<i64: 1024, 1>}, {transform_indices = @transform_1, window_bounds = array<i64: 1, 2048>}, {transform_indices = @transform_2, window_bounds = array<i64: 1024, 256>}, {transform_indices = @transform_3, window_bounds = array<i64: 2048, 256>}, {transform_indices = @transform_4, window_bounds = array<i64: 1, 1, 1024>}, {transform_indices = @transform_5, window_bounds = array<i64: 1, 1>}]} {
    %get3A = arith.constant 0 : index
    %get3A_0 = arith.constant 0 : index
    %get3A_1 = vector.load %arg4[%get3A, %get3A_0] : memref<1024x256xbf16, #tpu.memory_space<vmem>>, vector<1024x256xbf16>
    %get3A_2 = arith.constant 0 : index
    %get3A_3 = arith.constant 0 : index
    %get3A_4 = vector.load %arg5[%get3A_2, %get3A_3] : memref<2048x256xbf16, #tpu.memory_space<vmem>>, vector<2048x256xbf16>
    %dot_general3A = arith.constant dense<0.000000e+00> : vector<1024x2048xf32>
    %dot_general3A_5 = tpu.matmul %get3A_1, %get3A_4, %dot_general3A {dimension_numbers = #tpu.dot_dimension_numbers<[1], [1], [0], [0], [0, 0, 1, 0], [], []>, transpose_lhs_hint = false} : vector<1024x256xbf16>, vector<2048x256xbf16>, vector<1024x2048xf32> -> vector<1024x2048xf32>
    %get3A_6 = arith.constant 0 : index
    %get3A_7 = arith.constant 0 : index
    %get3A_8 = vector.load %arg2[%get3A_6, %get3A_7] : memref<1024x1xf32, #tpu.memory_space<vmem>>, vector<1024x1xf32>
    %mul3A = arith.constant 2.000000e+00 : f32
    %mul3A_9 = vector.broadcast %mul3A : f32 to vector<1024x2048xf32>
    %mul3A_10 = arith.mulf %mul3A_9, %dot_general3A_5 : vector<1024x2048xf32>
    %sub3A = vector.broadcast %get3A_8 : vector<1024x1xf32> to vector<1024x2048xf32>
    %sub3A_11 = arith.subf %sub3A, %mul3A_10 : vector<1024x2048xf32>
    %get3A_12 = arith.constant 0 : index
    %get3A_13 = arith.constant 0 : index
    %get3A_14 = vector.load %arg3[%get3A_12, %get3A_13] : memref<1x2048xf32, #tpu.memory_space<vmem>>, vector<1x2048xf32>
    %add3A = vector.broadcast %get3A_14 : vector<1x2048xf32> to vector<1024x2048xf32>
    %add3A_15 = arith.addf %sub3A_11, %add3A : vector<1024x2048xf32>
    %mul3A_16 = arith.constant 2048 : i32
    %mul3A_17 = arith.muli %arg1, %mul3A_16 : i32
    %iota3A = tpu.iota {dimensions = array<i32: 1>} : vector<1024x2048xi32>
    %add3A_18 = vector.broadcast %mul3A_17 : i32 to vector<1024x2048xi32>
    %add3A_19 = arith.addi %add3A_18, %iota3A : vector<1024x2048xi32>
    %eq3A = arith.constant 0 : i32
    %eq3A_20 = arith.cmpi eq, %arg1, %eq3A : i32
    %convert_element_type3A = arith.extui %eq3A_20 : i1 to i32
    %cond3A = arith.constant 0x7F800000 : f32
    %cond3A_21 = arith.constant 0 : i32
    %cond3A_22 = arith.cmpi ne, %convert_element_type3A, %cond3A_21 : i32
    scf.if %cond3A_22 {
      %broadcast_in_dim3A = vector.broadcast %cond3A : f32 to vector<3x1024xf32>
      %swap3A = arith.constant 0 : index
      %swap3A_50 = arith.constant 0 : index
      %swap3A_51 = vector.load %arg8[%swap3A, %swap3A_50] : memref<3x1024xf32, #tpu.memory_space<vmem>>, vector<3x1024xf32>
      tpu.vector_store %arg8[%swap3A, %swap3A_50], %broadcast_in_dim3A {strides = array<i32>} : memref<3x1024xf32, #tpu.memory_space<vmem>>, vector<3x1024xf32>,
      %broadcast_in_dim3A_52 = arith.constant 0 : i32
      %broadcast_in_dim3A_53 = vector.broadcast %broadcast_in_dim3A_52 : i32 to vector<3x1024xi32>
      %swap3A_54 = arith.constant 0 : index
      %swap3A_55 = arith.constant 0 : index
      %swap3A_56 = vector.load %arg9[%swap3A_54, %swap3A_55] : memref<3x1024xi32, #tpu.memory_space<vmem>>, vector<3x1024xi32>
      tpu.vector_store %arg9[%swap3A_54, %swap3A_55], %broadcast_in_dim3A_53 {strides = array<i32>} : memref<3x1024xi32, #tpu.memory_space<vmem>>, vector<3x1024xi32>,
    } else {
    }
    %eq3A_23 = arith.constant 0 : i32
    %eq3A_24 = arith.cmpi eq, %arg1, %eq3A_23 : i32
    %convert_element_type3A_25 = arith.extui %eq3A_24 : i1 to i32
    %cond3A_26 = arith.constant 0 : i32
    %cond3A_27 = arith.cmpi ne, %convert_element_type3A_25, %cond3A_26 : i32
    scf.if %cond3A_27 {
      %reduce_min3A = arith.constant dense<0x7F800000> : vector<1024xf32>
      %reduce_min3A_50 = vector.multi_reduction <minimumf>, %add3A_15, %reduce_min3A [1] : vector<1024x2048xf32> to vector<1024xf32>
      %reshape3A = vector.shape_cast %reduce_min3A_50 : vector<1024xf32> to vector<1x1024xf32>
      %reshape3A_51 = vector.shape_cast %reshape3A : vector<1x1024xf32> to vector<1024x1xf32>
      %eq3A_52 = vector.broadcast %reshape3A_51 : vector<1024x1xf32> to vector<1024x2048xf32>
      %eq3A_53 = arith.cmpf oeq, %add3A_15, %eq3A_52 : vector<1024x2048xf32>
      %jit3A = arith.constant 8192 : i32
      %broadcast_in_dim3A = vector.broadcast %jit3A : i32 to vector<1024x2048xi32>
      %select_n3A = arith.select %eq3A_53, %add3A_19, %broadcast_in_dim3A : vector<1024x2048xi1>, vector<1024x2048xi32>
      %reduce_min3A_54 = arith.constant dense<2147483647> : vector<1024xi32>
      %reduce_min3A_55 = vector.multi_reduction <minsi>, %select_n3A, %reduce_min3A_54 [1] : vector<1024x2048xi32> to vector<1024xi32>
      %reshape3A_56 = vector.shape_cast %reduce_min3A_55 : vector<1024xi32> to vector<1x1024xi32>
      %get3A_57 = arith.constant 0 : index
      %get3A_58 = arith.constant 0 : index
      %get3A_59 = vector.load %arg8[%get3A_57, %get3A_58] : memref<3x1024xf32, #tpu.memory_space<vmem>>, vector<1x1024xf32>
      %get3A_60 = arith.constant 0 : index
      %get3A_61 = arith.constant 0 : index
      %get3A_62 = vector.load %arg9[%get3A_60, %get3A_61] : memref<3x1024xi32, #tpu.memory_space<vmem>>, vector<1x1024xi32>
      %lt3A = arith.cmpf olt, %get3A_59, %reshape3A : vector<1x1024xf32>
      %eq3A_63 = arith.cmpf oeq, %get3A_59, %reshape3A : vector<1x1024xf32>
      %le3A = arith.cmpi sle, %get3A_62, %reshape3A_56 : vector<1x1024xi32>
      %and3A = arith.andi %eq3A_63, %le3A : vector<1x1024xi1>
      %or3A = arith.ori %lt3A, %and3A : vector<1x1024xi1>
      %select_n3A_64 = arith.select %or3A, %get3A_59, %reshape3A : vector<1x1024xi1>, vector<1x1024xf32>
      %swap3A = arith.constant 0 : index
      %swap3A_65 = arith.constant 0 : index
      %swap3A_66 = vector.load %arg8[%swap3A, %swap3A_65] : memref<3x1024xf32, #tpu.memory_space<vmem>>, vector<1x1024xf32>
      tpu.vector_store %arg8[%swap3A, %swap3A_65], %select_n3A_64 {strides = array<i32>} : memref<3x1024xf32, #tpu.memory_space<vmem>>, vector<1x1024xf32>,
      %select_n3A_67 = arith.select %or3A, %get3A_62, %reshape3A_56 : vector<1x1024xi1>, vector<1x1024xi32>
      %swap3A_68 = arith.constant 0 : index
      %swap3A_69 = arith.constant 0 : index
      %swap3A_70 = vector.load %arg9[%swap3A_68, %swap3A_69] : memref<3x1024xi32, #tpu.memory_space<vmem>>, vector<1x1024xi32>
      tpu.vector_store %arg9[%swap3A_68, %swap3A_69], %select_n3A_67 {strides = array<i32>} : memref<3x1024xi32, #tpu.memory_space<vmem>>, vector<1x1024xi32>,
    } else {
    }
    %eq3A_28 = arith.constant 1 : i32
    %eq3A_29 = arith.cmpi eq, %arg1, %eq3A_28 : i32
    %convert_element_type3A_30 = arith.extui %eq3A_29 : i1 to i32
    %cond3A_31 = arith.constant 0x7F800000 : f32
    %cond3A_32 = arith.constant 0 : i32
    %cond3A_33 = arith.cmpi ne, %convert_element_type3A_30, %cond3A_32 : i32
    scf.if %cond3A_33 {
      %ge3A = arith.constant 0 : i32
      %ge3A_50 = vector.broadcast %ge3A : i32 to vector<1024x2048xi32>
      %ge3A_51 = arith.cmpi sge, %add3A_19, %ge3A_50 : vector<1024x2048xi32>
      %lt3A = arith.constant 2736 : i32
      %lt3A_52 = vector.broadcast %lt3A : i32 to vector<1024x2048xi32>
      %lt3A_53 = arith.cmpi slt, %add3A_19, %lt3A_52 : vector<1024x2048xi32>
      %and3A = arith.andi %ge3A_51, %lt3A_53 : vector<1024x2048xi1>
      %broadcast_in_dim3A = vector.broadcast %cond3A_31 : f32 to vector<1024x2048xf32>
      %select_n3A = arith.select %and3A, %add3A_15, %broadcast_in_dim3A : vector<1024x2048xi1>, vector<1024x2048xf32>
      %reduce_min3A = arith.constant dense<0x7F800000> : vector<1024xf32>
      %reduce_min3A_54 = vector.multi_reduction <minimumf>, %select_n3A, %reduce_min3A [1] : vector<1024x2048xf32> to vector<1024xf32>
      %reshape3A = vector.shape_cast %reduce_min3A_54 : vector<1024xf32> to vector<1x1024xf32>
      %reshape3A_55 = vector.shape_cast %reshape3A : vector<1x1024xf32> to vector<1024x1xf32>
      %eq3A_56 = vector.broadcast %reshape3A_55 : vector<1024x1xf32> to vector<1024x2048xf32>
      %eq3A_57 = arith.cmpf oeq, %select_n3A, %eq3A_56 : vector<1024x2048xf32>
      %jit3A = arith.constant 8192 : i32
      %broadcast_in_dim3A_58 = vector.broadcast %jit3A : i32 to vector<1024x2048xi32>
      %select_n3A_59 = arith.select %eq3A_57, %add3A_19, %broadcast_in_dim3A_58 : vector<1024x2048xi1>, vector<1024x2048xi32>
      %reduce_min3A_60 = arith.constant dense<2147483647> : vector<1024xi32>
      %reduce_min3A_61 = vector.multi_reduction <minsi>, %select_n3A_59, %reduce_min3A_60 [1] : vector<1024x2048xi32> to vector<1024xi32>
      %reshape3A_62 = vector.shape_cast %reduce_min3A_61 : vector<1024xi32> to vector<1x1024xi32>
      %get3A_63 = arith.constant 0 : index
      %get3A_64 = arith.constant 0 : index
      %get3A_65 = vector.load %arg8[%get3A_63, %get3A_64] : memref<3x1024xf32, #tpu.memory_space<vmem>>, vector<1x1024xf32>
      %get3A_66 = arith.constant 0 : index
      %get3A_67 = arith.constant 0 : index
      %get3A_68 = vector.load %arg9[%get3A_66, %get3A_67] : memref<3x1024xi32, #tpu.memory_space<vmem>>, vector<1x1024xi32>
      %lt3A_69 = arith.cmpf olt, %get3A_65, %reshape3A : vector<1x1024xf32>
      %eq3A_70 = arith.cmpf oeq, %get3A_65, %reshape3A : vector<1x1024xf32>
      %le3A = arith.cmpi sle, %get3A_68, %reshape3A_62 : vector<1x1024xi32>
      %and3A_71 = arith.andi %eq3A_70, %le3A : vector<1x1024xi1>
      %or3A = arith.ori %lt3A_69, %and3A_71 : vector<1x1024xi1>
      %select_n3A_72 = arith.select %or3A, %get3A_65, %reshape3A : vector<1x1024xi1>, vector<1x1024xf32>
      %swap3A = arith.constant 0 : index
      %swap3A_73 = arith.constant 0 : index
      %swap3A_74 = vector.load %arg8[%swap3A, %swap3A_73] : memref<3x1024xf32, #tpu.memory_space<vmem>>, vector<1x1024xf32>
      tpu.vector_store %arg8[%swap3A, %swap3A_73], %select_n3A_72 {strides = array<i32>} : memref<3x1024xf32, #tpu.memory_space<vmem>>, vector<1x1024xf32>,
      %select_n3A_75 = arith.select %or3A, %get3A_68, %reshape3A_62 : vector<1x1024xi1>, vector<1x1024xi32>
      %swap3A_76 = arith.constant 0 : index
      %swap3A_77 = arith.constant 0 : index
      %swap3A_78 = vector.load %arg9[%swap3A_76, %swap3A_77] : memref<3x1024xi32, #tpu.memory_space<vmem>>, vector<1x1024xi32>
      tpu.vector_store %arg9[%swap3A_76, %swap3A_77], %select_n3A_75 {strides = array<i32>} : memref<3x1024xi32, #tpu.memory_space<vmem>>, vector<1x1024xi32>,
      %ge3A_79 = arith.constant 2736 : i32
      %ge3A_80 = vector.broadcast %ge3A_79 : i32 to vector<1024x2048xi32>
      %ge3A_81 = arith.cmpi sge, %add3A_19, %ge3A_80 : vector<1024x2048xi32>
      %lt3A_82 = arith.constant 5472 : i32
      %lt3A_83 = vector.broadcast %lt3A_82 : i32 to vector<1024x2048xi32>
      %lt3A_84 = arith.cmpi slt, %add3A_19, %lt3A_83 : vector<1024x2048xi32>
      %and3A_85 = arith.andi %ge3A_81, %lt3A_84 : vector<1024x2048xi1>
      %broadcast_in_dim3A_86 = vector.broadcast %cond3A_31 : f32 to vector<1024x2048xf32>
      %select_n3A_87 = arith.select %and3A_85, %add3A_15, %broadcast_in_dim3A_86 : vector<1024x2048xi1>, vector<1024x2048xf32>
      %reduce_min3A_88 = arith.constant dense<0x7F800000> : vector<1024xf32>
      %reduce_min3A_89 = vector.multi_reduction <minimumf>, %select_n3A_87, %reduce_min3A_88 [1] : vector<1024x2048xf32> to vector<1024xf32>
      %reshape3A_90 = vector.shape_cast %reduce_min3A_89 : vector<1024xf32> to vector<1x1024xf32>
      %reshape3A_91 = vector.shape_cast %reshape3A_90 : vector<1x1024xf32> to vector<1024x1xf32>
      %eq3A_92 = vector.broadcast %reshape3A_91 : vector<1024x1xf32> to vector<1024x2048xf32>
      %eq3A_93 = arith.cmpf oeq, %select_n3A_87, %eq3A_92 : vector<1024x2048xf32>
      %jit3A_94 = arith.constant 8192 : i32
      %broadcast_in_dim3A_95 = vector.broadcast %jit3A_94 : i32 to vector<1024x2048xi32>
      %select_n3A_96 = arith.select %eq3A_93, %add3A_19, %broadcast_in_dim3A_95 : vector<1024x2048xi1>, vector<1024x2048xi32>
      %reduce_min3A_97 = arith.constant dense<2147483647> : vector<1024xi32>
      %reduce_min3A_98 = vector.multi_reduction <minsi>, %select_n3A_96, %reduce_min3A_97 [1] : vector<1024x2048xi32> to vector<1024xi32>
      %reshape3A_99 = vector.shape_cast %reduce_min3A_98 : vector<1024xi32> to vector<1x1024xi32>
      %get3A_100 = arith.constant 1 : index
      %get3A_101 = arith.constant 0 : index
      %get3A_102 = vector.load %arg8[%get3A_100, %get3A_101] : memref<3x1024xf32, #tpu.memory_space<vmem>>, vector<1x1024xf32>
      %get3A_103 = arith.constant 1 : index
      %get3A_104 = arith.constant 0 : index
      %get3A_105 = vector.load %arg9[%get3A_103, %get3A_104] : memref<3x1024xi32, #tpu.memory_space<vmem>>, vector<1x1024xi32>
      %lt3A_106 = arith.cmpf olt, %get3A_102, %reshape3A_90 : vector<1x1024xf32>
      %eq3A_107 = arith.cmpf oeq, %get3A_102, %reshape3A_90 : vector<1x1024xf32>
      %le3A_108 = arith.cmpi sle, %get3A_105, %reshape3A_99 : vector<1x1024xi32>
      %and3A_109 = arith.andi %eq3A_107, %le3A_108 : vector<1x1024xi1>
      %or3A_110 = arith.ori %lt3A_106, %and3A_109 : vector<1x1024xi1>
      %select_n3A_111 = arith.select %or3A_110, %get3A_102, %reshape3A_90 : vector<1x1024xi1>, vector<1x1024xf32>
      %swap3A_112 = arith.constant 1 : index
      %swap3A_113 = arith.constant 0 : index
      %swap3A_114 = vector.load %arg8[%swap3A_112, %swap3A_113] : memref<3x1024xf32, #tpu.memory_space<vmem>>, vector<1x1024xf32>
      tpu.vector_store %arg8[%swap3A_112, %swap3A_113], %select_n3A_111 {strides = array<i32>} : memref<3x1024xf32, #tpu.memory_space<vmem>>, vector<1x1024xf32>,
      %select_n3A_115 = arith.select %or3A_110, %get3A_105, %reshape3A_99 : vector<1x1024xi1>, vector<1x1024xi32>
      %swap3A_116 = arith.constant 1 : index
      %swap3A_117 = arith.constant 0 : index
      %swap3A_118 = vector.load %arg9[%swap3A_116, %swap3A_117] : memref<3x1024xi32, #tpu.memory_space<vmem>>, vector<1x1024xi32>
      tpu.vector_store %arg9[%swap3A_116, %swap3A_117], %select_n3A_115 {strides = array<i32>} : memref<3x1024xi32, #tpu.memory_space<vmem>>, vector<1x1024xi32>,
    } else {
    }
    %eq3A_34 = arith.constant 2 : i32
    %eq3A_35 = arith.cmpi eq, %arg1, %eq3A_34 : i32
    %convert_element_type3A_36 = arith.extui %eq3A_35 : i1 to i32
    %cond3A_37 = arith.constant 0x7F800000 : f32
    %cond3A_38 = arith.constant 0 : i32
    %cond3A_39 = arith.cmpi ne, %convert_element_type3A_36, %cond3A_38 : i32
    scf.if %cond3A_39 {
      %ge3A = arith.constant 2736 : i32
      %ge3A_50 = vector.broadcast %ge3A : i32 to vector<1024x2048xi32>
      %ge3A_51 = arith.cmpi sge, %add3A_19, %ge3A_50 : vector<1024x2048xi32>
      %lt3A = arith.constant 5472 : i32
      %lt3A_52 = vector.broadcast %lt3A : i32 to vector<1024x2048xi32>
      %lt3A_53 = arith.cmpi slt, %add3A_19, %lt3A_52 : vector<1024x2048xi32>
      %and3A = arith.andi %ge3A_51, %lt3A_53 : vector<1024x2048xi1>
      %broadcast_in_dim3A = vector.broadcast %cond3A_37 : f32 to vector<1024x2048xf32>
      %select_n3A = arith.select %and3A, %add3A_15, %broadcast_in_dim3A : vector<1024x2048xi1>, vector<1024x2048xf32>
      %reduce_min3A = arith.constant dense<0x7F800000> : vector<1024xf32>
      %reduce_min3A_54 = vector.multi_reduction <minimumf>, %select_n3A, %reduce_min3A [1] : vector<1024x2048xf32> to vector<1024xf32>
      %reshape3A = vector.shape_cast %reduce_min3A_54 : vector<1024xf32> to vector<1x1024xf32>
      %reshape3A_55 = vector.shape_cast %reshape3A : vector<1x1024xf32> to vector<1024x1xf32>
      %eq3A_56 = vector.broadcast %reshape3A_55 : vector<1024x1xf32> to vector<1024x2048xf32>
      %eq3A_57 = arith.cmpf oeq, %select_n3A, %eq3A_56 : vector<1024x2048xf32>
      %jit3A = arith.constant 8192 : i32
      %broadcast_in_dim3A_58 = vector.broadcast %jit3A : i32 to vector<1024x2048xi32>
      %select_n3A_59 = arith.select %eq3A_57, %add3A_19, %broadcast_in_dim3A_58 : vector<1024x2048xi1>, vector<1024x2048xi32>
      %reduce_min3A_60 = arith.constant dense<2147483647> : vector<1024xi32>
      %reduce_min3A_61 = vector.multi_reduction <minsi>, %select_n3A_59, %reduce_min3A_60 [1] : vector<1024x2048xi32> to vector<1024xi32>
      %reshape3A_62 = vector.shape_cast %reduce_min3A_61 : vector<1024xi32> to vector<1x1024xi32>
      %get3A_63 = arith.constant 1 : index
      %get3A_64 = arith.constant 0 : index
      %get3A_65 = vector.load %arg8[%get3A_63, %get3A_64] : memref<3x1024xf32, #tpu.memory_space<vmem>>, vector<1x1024xf32>
      %get3A_66 = arith.constant 1 : index
      %get3A_67 = arith.constant 0 : index
      %get3A_68 = vector.load %arg9[%get3A_66, %get3A_67] : memref<3x1024xi32, #tpu.memory_space<vmem>>, vector<1x1024xi32>
      %lt3A_69 = arith.cmpf olt, %get3A_65, %reshape3A : vector<1x1024xf32>
      %eq3A_70 = arith.cmpf oeq, %get3A_65, %reshape3A : vector<1x1024xf32>
      %le3A = arith.cmpi sle, %get3A_68, %reshape3A_62 : vector<1x1024xi32>
      %and3A_71 = arith.andi %eq3A_70, %le3A : vector<1x1024xi1>
      %or3A = arith.ori %lt3A_69, %and3A_71 : vector<1x1024xi1>
      %select_n3A_72 = arith.select %or3A, %get3A_65, %reshape3A : vector<1x1024xi1>, vector<1x1024xf32>
      %swap3A = arith.constant 1 : index
      %swap3A_73 = arith.constant 0 : index
      %swap3A_74 = vector.load %arg8[%swap3A, %swap3A_73] : memref<3x1024xf32, #tpu.memory_space<vmem>>, vector<1x1024xf32>
      tpu.vector_store %arg8[%swap3A, %swap3A_73], %select_n3A_72 {strides = array<i32>} : memref<3x1024xf32, #tpu.memory_space<vmem>>, vector<1x1024xf32>,
      %select_n3A_75 = arith.select %or3A, %get3A_68, %reshape3A_62 : vector<1x1024xi1>, vector<1x1024xi32>
      %swap3A_76 = arith.constant 1 : index
      %swap3A_77 = arith.constant 0 : index
      %swap3A_78 = vector.load %arg9[%swap3A_76, %swap3A_77] : memref<3x1024xi32, #tpu.memory_space<vmem>>, vector<1x1024xi32>
      tpu.vector_store %arg9[%swap3A_76, %swap3A_77], %select_n3A_75 {strides = array<i32>} : memref<3x1024xi32, #tpu.memory_space<vmem>>, vector<1x1024xi32>,
      %ge3A_79 = arith.constant 5472 : i32
      %ge3A_80 = vector.broadcast %ge3A_79 : i32 to vector<1024x2048xi32>
      %ge3A_81 = arith.cmpi sge, %add3A_19, %ge3A_80 : vector<1024x2048xi32>
      %lt3A_82 = arith.constant 8192 : i32
      %lt3A_83 = vector.broadcast %lt3A_82 : i32 to vector<1024x2048xi32>
      %lt3A_84 = arith.cmpi slt, %add3A_19, %lt3A_83 : vector<1024x2048xi32>
      %and3A_85 = arith.andi %ge3A_81, %lt3A_84 : vector<1024x2048xi1>
      %broadcast_in_dim3A_86 = vector.broadcast %cond3A_37 : f32 to vector<1024x2048xf32>
      %select_n3A_87 = arith.select %and3A_85, %add3A_15, %broadcast_in_dim3A_86 : vector<1024x2048xi1>, vector<1024x2048xf32>
      %reduce_min3A_88 = arith.constant dense<0x7F800000> : vector<1024xf32>
      %reduce_min3A_89 = vector.multi_reduction <minimumf>, %select_n3A_87, %reduce_min3A_88 [1] : vector<1024x2048xf32> to vector<1024xf32>
      %reshape3A_90 = vector.shape_cast %reduce_min3A_89 : vector<1024xf32> to vector<1x1024xf32>
      %reshape3A_91 = vector.shape_cast %reshape3A_90 : vector<1x1024xf32> to vector<1024x1xf32>
      %eq3A_92 = vector.broadcast %reshape3A_91 : vector<1024x1xf32> to vector<1024x2048xf32>
      %eq3A_93 = arith.cmpf oeq, %select_n3A_87, %eq3A_92 : vector<1024x2048xf32>
      %jit3A_94 = arith.constant 8192 : i32
      %broadcast_in_dim3A_95 = vector.broadcast %jit3A_94 : i32 to vector<1024x2048xi32>
      %select_n3A_96 = arith.select %eq3A_93, %add3A_19, %broadcast_in_dim3A_95 : vector<1024x2048xi1>, vector<1024x2048xi32>
      %reduce_min3A_97 = arith.constant dense<2147483647> : vector<1024xi32>
      %reduce_min3A_98 = vector.multi_reduction <minsi>, %select_n3A_96, %reduce_min3A_97 [1] : vector<1024x2048xi32> to vector<1024xi32>
      %reshape3A_99 = vector.shape_cast %reduce_min3A_98 : vector<1024xi32> to vector<1x1024xi32>
      %get3A_100 = arith.constant 2 : index
      %get3A_101 = arith.constant 0 : index
      %get3A_102 = vector.load %arg8[%get3A_100, %get3A_101] : memref<3x1024xf32, #tpu.memory_space<vmem>>, vector<1x1024xf32>
      %get3A_103 = arith.constant 2 : index
      %get3A_104 = arith.constant 0 : index
      %get3A_105 = vector.load %arg9[%get3A_103, %get3A_104] : memref<3x1024xi32, #tpu.memory_space<vmem>>, vector<1x1024xi32>
      %lt3A_106 = arith.cmpf olt, %get3A_102, %reshape3A_90 : vector<1x1024xf32>
      %eq3A_107 = arith.cmpf oeq, %get3A_102, %reshape3A_90 : vector<1x1024xf32>
      %le3A_108 = arith.cmpi sle, %get3A_105, %reshape3A_99 : vector<1x1024xi32>
      %and3A_109 = arith.andi %eq3A_107, %le3A_108 : vector<1x1024xi1>
      %or3A_110 = arith.ori %lt3A_106, %and3A_109 : vector<1x1024xi1>
      %select_n3A_111 = arith.select %or3A_110, %get3A_102, %reshape3A_90 : vector<1x1024xi1>, vector<1x1024xf32>
      %swap3A_112 = arith.constant 2 : index
      %swap3A_113 = arith.constant 0 : index
      %swap3A_114 = vector.load %arg8[%swap3A_112, %swap3A_113] : memref<3x1024xf32, #tpu.memory_space<vmem>>, vector<1x1024xf32>
      tpu.vector_store %arg8[%swap3A_112, %swap3A_113], %select_n3A_111 {strides = array<i32>} : memref<3x1024xf32, #tpu.memory_space<vmem>>, vector<1x1024xf32>,
      %select_n3A_115 = arith.select %or3A_110, %get3A_105, %reshape3A_99 : vector<1x1024xi1>, vector<1x1024xi32>
      %swap3A_116 = arith.constant 2 : index
      %swap3A_117 = arith.constant 0 : index
      %swap3A_118 = vector.load %arg9[%swap3A_116, %swap3A_117] : memref<3x1024xi32, #tpu.memory_space<vmem>>, vector<1x1024xi32>
      tpu.vector_store %arg9[%swap3A_116, %swap3A_117], %select_n3A_115 {strides = array<i32>} : memref<3x1024xi32, #tpu.memory_space<vmem>>, vector<1x1024xi32>,
    } else {
    }
    %eq3A_40 = arith.constant 3 : i32
    %eq3A_41 = arith.cmpi eq, %arg1, %eq3A_40 : i32
    %convert_element_type3A_42 = arith.extui %eq3A_41 : i1 to i32
    %cond3A_43 = arith.constant 0 : i32
    %cond3A_44 = arith.cmpi ne, %convert_element_type3A_42, %cond3A_43 : i32
    scf.if %cond3A_44 {
      %reduce_min3A = arith.constant dense<0x7F800000> : vector<1024xf32>
      %reduce_min3A_50 = vector.multi_reduction <minimumf>, %add3A_15, %reduce_min3A [1] : vector<1024x2048xf32> to vector<1024xf32>
      %reshape3A = vector.shape_cast %reduce_min3A_50 : vector<1024xf32> to vector<1x1024xf32>
      %reshape3A_51 = vector.shape_cast %reshape3A : vector<1x1024xf32> to vector<1024x1xf32>
      %eq3A_52 = vector.broadcast %reshape3A_51 : vector<1024x1xf32> to vector<1024x2048xf32>
      %eq3A_53 = arith.cmpf oeq, %add3A_15, %eq3A_52 : vector<1024x2048xf32>
      %jit3A = arith.constant 8192 : i32
      %broadcast_in_dim3A = vector.broadcast %jit3A : i32 to vector<1024x2048xi32>
      %select_n3A = arith.select %eq3A_53, %add3A_19, %broadcast_in_dim3A : vector<1024x2048xi1>, vector<1024x2048xi32>
      %reduce_min3A_54 = arith.constant dense<2147483647> : vector<1024xi32>
      %reduce_min3A_55 = vector.multi_reduction <minsi>, %select_n3A, %reduce_min3A_54 [1] : vector<1024x2048xi32> to vector<1024xi32>
      %reshape3A_56 = vector.shape_cast %reduce_min3A_55 : vector<1024xi32> to vector<1x1024xi32>
      %get3A_57 = arith.constant 2 : index
      %get3A_58 = arith.constant 0 : index
      %get3A_59 = vector.load %arg8[%get3A_57, %get3A_58] : memref<3x1024xf32, #tpu.memory_space<vmem>>, vector<1x1024xf32>
      %get3A_60 = arith.constant 2 : index
      %get3A_61 = arith.constant 0 : index
      %get3A_62 = vector.load %arg9[%get3A_60, %get3A_61] : memref<3x1024xi32, #tpu.memory_space<vmem>>, vector<1x1024xi32>
      %lt3A = arith.cmpf olt, %get3A_59, %reshape3A : vector<1x1024xf32>
      %eq3A_63 = arith.cmpf oeq, %get3A_59, %reshape3A : vector<1x1024xf32>
      %le3A = arith.cmpi sle, %get3A_62, %reshape3A_56 : vector<1x1024xi32>
      %and3A = arith.andi %eq3A_63, %le3A : vector<1x1024xi1>
      %or3A = arith.ori %lt3A, %and3A : vector<1x1024xi1>
      %select_n3A_64 = arith.select %or3A, %get3A_59, %reshape3A : vector<1x1024xi1>, vector<1x1024xf32>
      %swap3A = arith.constant 2 : index
      %swap3A_65 = arith.constant 0 : index
      %swap3A_66 = vector.load %arg8[%swap3A, %swap3A_65] : memref<3x1024xf32, #tpu.memory_space<vmem>>, vector<1x1024xf32>
      tpu.vector_store %arg8[%swap3A, %swap3A_65], %select_n3A_64 {strides = array<i32>} : memref<3x1024xf32, #tpu.memory_space<vmem>>, vector<1x1024xf32>,
      %select_n3A_67 = arith.select %or3A, %get3A_62, %reshape3A_56 : vector<1x1024xi1>, vector<1x1024xi32>
      %swap3A_68 = arith.constant 2 : index
      %swap3A_69 = arith.constant 0 : index
      %swap3A_70 = vector.load %arg9[%swap3A_68, %swap3A_69] : memref<3x1024xi32, #tpu.memory_space<vmem>>, vector<1x1024xi32>
      tpu.vector_store %arg9[%swap3A_68, %swap3A_69], %select_n3A_67 {strides = array<i32>} : memref<3x1024xi32, #tpu.memory_space<vmem>>, vector<1x1024xi32>,
    } else {
    }
    %eq3A_45 = arith.constant 3 : i32
    %eq3A_46 = arith.cmpi eq, %arg1, %eq3A_45 : i32
    %convert_element_type3A_47 = arith.extui %eq3A_46 : i1 to i32
    %cond3A_48 = arith.constant 0 : i32
    %cond3A_49 = arith.cmpi ne, %convert_element_type3A_47, %cond3A_48 : i32
    scf.if %cond3A_49 {
      %get3A_50 = arith.constant 0 : index
      %get3A_51 = arith.constant 0 : index
      %get3A_52 = vector.load %arg8[%get3A_50, %get3A_51] : memref<3x1024xf32, #tpu.memory_space<vmem>>, vector<1x1024xf32>
      %get3A_53 = arith.constant 0 : index
      %get3A_54 = arith.constant 0 : index
      %get3A_55 = vector.load %arg9[%get3A_53, %get3A_54] : memref<3x1024xi32, #tpu.memory_space<vmem>>, vector<1x1024xi32>
      %bitcast_convert_type3A = tpu.bitcast %get3A_52 : vector<1x1024xf32> -> vector<1x1024xi32>
      %add3A_56 = arith.constant 32767 : i32
      %add3A_57 = vector.broadcast %add3A_56 : i32 to vector<1x1024xi32>
      %add3A_58 = arith.addi %bitcast_convert_type3A, %add3A_57 : vector<1x1024xi32>
      %shift_right_arithmetic3A = arith.constant 16 : i32
      %shift_right_arithmetic3A_59 = vector.broadcast %shift_right_arithmetic3A : i32 to vector<1x1024xi32>
      %shift_right_arithmetic3A_60 = arith.shrsi %bitcast_convert_type3A, %shift_right_arithmetic3A_59 : vector<1x1024xi32>
      %and3A = arith.constant 1 : i32
      %and3A_61 = vector.broadcast %and3A : i32 to vector<1x1024xi32>
      %and3A_62 = arith.andi %shift_right_arithmetic3A_60, %and3A_61 : vector<1x1024xi32>
      %add3A_63 = arith.addi %add3A_58, %and3A_62 : vector<1x1024xi32>
      %and3A_64 = arith.constant -65536 : i32
      %and3A_65 = vector.broadcast %and3A_64 : i32 to vector<1x1024xi32>
      %and3A_66 = arith.andi %add3A_63, %and3A_65 : vector<1x1024xi32>
      %bitcast_convert_type3A_67 = tpu.bitcast %and3A_66 : vector<1x1024xi32> -> vector<1x1024xf32>
      %get3A_68 = arith.constant 1 : index
      %get3A_69 = arith.constant 0 : index
      %get3A_70 = vector.load %arg8[%get3A_68, %get3A_69] : memref<3x1024xf32, #tpu.memory_space<vmem>>, vector<1x1024xf32>
      %get3A_71 = arith.constant 1 : index
      %get3A_72 = arith.constant 0 : index
      %get3A_73 = vector.load %arg9[%get3A_71, %get3A_72] : memref<3x1024xi32, #tpu.memory_space<vmem>>, vector<1x1024xi32>
      %lt3A = arith.cmpf olt, %bitcast_convert_type3A_67, %get3A_70 : vector<1x1024xf32>
      %eq3A_74 = arith.cmpf oeq, %bitcast_convert_type3A_67, %get3A_70 : vector<1x1024xf32>
      %lt3A_75 = arith.cmpi slt, %get3A_55, %get3A_73 : vector<1x1024xi32>
      %and3A_76 = arith.andi %eq3A_74, %lt3A_75 : vector<1x1024xi1>
      %or3A = arith.ori %lt3A, %and3A_76 : vector<1x1024xi1>
      %select_n3A = arith.select %or3A, %bitcast_convert_type3A_67, %get3A_70 : vector<1x1024xi1>, vector<1x1024xf32>
      %select_n3A_77 = arith.select %or3A, %get3A_52, %get3A_70 : vector<1x1024xi1>, vector<1x1024xf32>
      %select_n3A_78 = arith.select %or3A, %get3A_55, %get3A_73 : vector<1x1024xi1>, vector<1x1024xi32>
      %bitcast_convert_type3A_79 = tpu.bitcast %select_n3A : vector<1x1024xf32> -> vector<1x1024xi32>
      %add3A_80 = arith.constant 32767 : i32
      %add3A_81 = vector.broadcast %add3A_80 : i32 to vector<1x1024xi32>
      %add3A_82 = arith.addi %bitcast_convert_type3A_79, %add3A_81 : vector<1x1024xi32>
      %shift_right_arithmetic3A_83 = arith.constant 16 : i32
      %shift_right_arithmetic3A_84 = vector.broadcast %shift_right_arithmetic3A_83 : i32 to vector<1x1024xi32>
      %shift_right_arithmetic3A_85 = arith.shrsi %bitcast_convert_type3A_79, %shift_right_arithmetic3A_84 : vector<1x1024xi32>
      %and3A_86 = arith.constant 1 : i32
      %and3A_87 = vector.broadcast %and3A_86 : i32 to vector<1x1024xi32>
      %and3A_88 = arith.andi %shift_right_arithmetic3A_85, %and3A_87 : vector<1x1024xi32>
      %add3A_89 = arith.addi %add3A_82, %and3A_88 : vector<1x1024xi32>
      %and3A_90 = arith.constant -65536 : i32
      %and3A_91 = vector.broadcast %and3A_90 : i32 to vector<1x1024xi32>
      %and3A_92 = arith.andi %add3A_89, %and3A_91 : vector<1x1024xi32>
      %bitcast_convert_type3A_93 = tpu.bitcast %and3A_92 : vector<1x1024xi32> -> vector<1x1024xf32>
      %get3A_94 = arith.constant 2 : index
      %get3A_95 = arith.constant 0 : index
      %get3A_96 = vector.load %arg8[%get3A_94, %get3A_95] : memref<3x1024xf32, #tpu.memory_space<vmem>>, vector<1x1024xf32>
      %get3A_97 = arith.constant 2 : index
      %get3A_98 = arith.constant 0 : index
      %get3A_99 = vector.load %arg9[%get3A_97, %get3A_98] : memref<3x1024xi32, #tpu.memory_space<vmem>>, vector<1x1024xi32>
      %lt3A_100 = arith.cmpf olt, %bitcast_convert_type3A_93, %get3A_96 : vector<1x1024xf32>
      %eq3A_101 = arith.cmpf oeq, %bitcast_convert_type3A_93, %get3A_96 : vector<1x1024xf32>
      %lt3A_102 = arith.cmpi slt, %select_n3A_78, %get3A_99 : vector<1x1024xi32>
      %and3A_103 = arith.andi %eq3A_101, %lt3A_102 : vector<1x1024xi1>
      %or3A_104 = arith.ori %lt3A_100, %and3A_103 : vector<1x1024xi1>
      %select_n3A_105 = arith.select %or3A_104, %select_n3A_77, %get3A_96 : vector<1x1024xi1>, vector<1x1024xf32>
      %select_n3A_106 = arith.select %or3A_104, %select_n3A_78, %get3A_99 : vector<1x1024xi1>, vector<1x1024xi32>
      %reshape3A = vector.shape_cast %select_n3A_106 : vector<1x1024xi32> to vector<1024xi32>
      %swap3A = arith.constant 0 : index
      %swap3A_107 = arith.constant 0 : index
      %swap3A_108 = arith.constant 0 : index
      %swap3A_109 = vector.load %arg6[%swap3A, %swap3A_107, %swap3A_108] : memref<1x1x1024xi32, #tpu.memory_space<vmem>>, vector<1x1x1024xi32>
      %swap3A_110 = vector.shape_cast %swap3A_109 : vector<1x1x1024xi32> to vector<1024xi32>
      %swap3A_111 = vector.shape_cast %reshape3A : vector<1024xi32> to vector<1x1x1024xi32>
      tpu.vector_store %arg6[%swap3A, %swap3A_107, %swap3A_108], %swap3A_111 {strides = array<i32>} : memref<1x1x1024xi32, #tpu.memory_space<vmem>>, vector<1x1x1024xi32>,
      %reduce_sum3A = vector.shape_cast %select_n3A_105 : vector<1x1024xf32> to vector<1x1x1024xf32>
      %reduce_sum3A_112 = arith.constant dense<0.000000e+00> : vector<1xf32>
      %reduce_sum3A_113 = vector.multi_reduction <add>, %reduce_sum3A, %reduce_sum3A_112 [1, 2] : vector<1x1x1024xf32> to vector<1xf32>
      %reduce_sum3A_114 = vector.shape_cast %reduce_sum3A_113 : vector<1xf32> to vector<1x1x1xf32>
      %reduce_sum3A_115 = vector.extract %reduce_sum3A_114[0, 0, 0] : f32 from vector<1x1x1xf32>
      %eq3A_116 = arith.constant 0 : i32
      %eq3A_117 = arith.cmpi eq, %arg0, %eq3A_116 : i32
      %get3A_118 = arith.constant 0 : index
      %get3A_119 = arith.constant 0 : index
      %get3A_120 = memref.load %arg7[%get3A_118, %get3A_119] : memref<1x1xf32, #tpu.memory_space<smem>>
      %add3A_121 = arith.addf %get3A_120, %reduce_sum3A_115 : f32
      %select_n3A_122 = arith.select %eq3A_117, %reduce_sum3A_115, %add3A_121 : f32
      %swap3A_123 = arith.constant 0 : index
      %swap3A_124 = arith.constant 0 : index
      %swap3A_125 = memref.load %arg7[%swap3A_123, %swap3A_124] : memref<1x1xf32, #tpu.memory_space<smem>>
      memref.store %select_n3A_122, %arg7[%swap3A_123, %swap3A_124] : memref<1x1xf32, #tpu.memory_space<smem>>
    } else {
    }
    return
  }
  func.func @transform_0(%arg0: i32, %arg1: i32) -> (i32, i32) {
    %c0_i32 = arith.constant 0 : i32
    %c0_i32_0 = arith.constant 0 : i32
    return %arg0, %c0_i32 : i32, i32
  }
  func.func @transform_1(%arg0: i32, %arg1: i32) -> (i32, i32) {
    %c0_i32 = arith.constant 0 : i32
    %c0_i32_0 = arith.constant 0 : i32
    return %c0_i32, %arg1 : i32, i32
  }
  func.func @transform_2(%arg0: i32, %arg1: i32) -> (i32, i32) {
    %c0_i32 = arith.constant 0 : i32
    %c0_i32_0 = arith.constant 0 : i32
    return %arg0, %c0_i32 : i32, i32
  }
  func.func @transform_3(%arg0: i32, %arg1: i32) -> (i32, i32) {
    %c0_i32 = arith.constant 0 : i32
    %c0_i32_0 = arith.constant 0 : i32
    return %arg1, %c0_i32 : i32, i32
  }
  func.func @transform_4(%arg0: i32, %arg1: i32) -> (i32, i32, i32) {
    %c0_i32 = arith.constant 0 : i32
    %c0_i32_0 = arith.constant 0 : i32
    %c0_i32_1 = arith.constant 0 : i32
    return %arg0, %c0_i32, %c0_i32_0 : i32, i32, i32
  }
  func.func @transform_5(%arg0: i32, %arg1: i32) -> (i32, i32) {
    %c0_i32 = arith.constant 0 : i32
    %c0_i32_0 = arith.constant 0 : i32
    %c0_i32_1 = arith.constant 0 : i32
    return %c0_i32, %c0_i32_0 : i32, i32
  }
}

module attributes {stable_mosaic.version = 14 : i64} {
  func.func @_finalize_body(%arg0: memref<32x8192xf32, #tpu.memory_space<vmem>>, %arg1: memref<1x1xf32, #tpu.memory_space<smem>>, %arg2: memref<1x1xf32, #tpu.memory_space<smem>>, %arg3: memref<1x1xf32, #tpu.memory_space<smem>>) attributes {dimension_semantics = [], scalar_prefetch = 0 : i64, scratch_operands = 0 : i64, tpu.core_type = #tpu.core_type<tc>} {
    %get3A = arith.constant 0 : index
    %get3A_0 = arith.constant 0 : index
    %get3A_1 = vector.load %arg0[%get3A, %get3A_0] : memref<32x8192xf32, #tpu.memory_space<vmem>>, vector<32x8192xf32>
    %reduce_sum3A = arith.constant dense<0.000000e+00> : vector<8192xf32>
    %reduce_sum3A_2 = vector.multi_reduction <add>, %get3A_1, %reduce_sum3A [0] : vector<32x8192xf32> to vector<8192xf32>
    %mul3A = arith.constant 6.10351563E-5 : f32
    %mul3A_3 = vector.broadcast %mul3A : f32 to vector<8192xf32>
    %mul3A_4 = arith.mulf %reduce_sum3A_2, %mul3A_3 : vector<8192xf32>
    %add3A = arith.constant 1.000000e-10 : f32
    %add3A_5 = vector.broadcast %add3A : f32 to vector<8192xf32>
    %add3A_6 = arith.addf %mul3A_4, %add3A_5 : vector<8192xf32>
    %log3A = math.log %add3A_6 : vector<8192xf32>
    %mul3A_7 = arith.mulf %mul3A_4, %log3A : vector<8192xf32>
    %reduce_sum3A_8 = vector.shape_cast %mul3A_7 : vector<8192xf32> to vector<1x8192xf32>
    %reduce_sum3A_9 = arith.constant dense<0.000000e+00> : vector<1xf32>
    %reduce_sum3A_10 = vector.multi_reduction <add>, %reduce_sum3A_8, %reduce_sum3A_9 [1] : vector<1x8192xf32> to vector<1xf32>
    %reduce_sum3A_11 = vector.shape_cast %reduce_sum3A_10 : vector<1xf32> to vector<1x1xf32>
    %reduce_sum3A_12 = vector.extract %reduce_sum3A_11[0, 0] : f32 from vector<1x1xf32>
    %neg3A = arith.constant 0.000000e+00 : f32
    %neg3A_13 = arith.subf %neg3A, %reduce_sum3A_12 : f32
    %exp3A = math.exp %neg3A_13 : f32
    %swap3A = arith.constant 0 : index
    %swap3A_14 = arith.constant 0 : index
    %swap3A_15 = memref.load %arg3[%swap3A, %swap3A_14] : memref<1x1xf32, #tpu.memory_space<smem>>
    memref.store %exp3A, %arg3[%swap3A, %swap3A_14] : memref<1x1xf32, #tpu.memory_space<smem>>
    %get3A_16 = arith.constant 0 : index
    %get3A_17 = arith.constant 0 : index
    %get3A_18 = memref.load %arg1[%get3A_16, %get3A_17] : memref<1x1xf32, #tpu.memory_space<smem>>
    %mul3A_19 = arith.constant 5.96046448E-8 : f32
    %mul3A_20 = arith.mulf %mul3A_19, %get3A_18 : f32
    %swap3A_21 = arith.constant 0 : index
    %swap3A_22 = arith.constant 0 : index
    %swap3A_23 = memref.load %arg2[%swap3A_21, %swap3A_22] : memref<1x1xf32, #tpu.memory_space<smem>>
    memref.store %mul3A_20, %arg2[%swap3A_21, %swap3A_22] : memref<1x1xf32, #tpu.memory_space<smem>>
    return
  }
}

</mosaic_0001>

<sc_bundles>
// kernel: kernel.5.cloned.1.call-start
scs
__scs_entry_jumppad:
0x0: {  	(pc) =	sbr.rel $0x88, $3  }
0x1: {  	(tag) =	ssettag $0x0;
	lr =	simm.s32 $0x1  }
0x2: {  	[smem:$0x3F9F] =	sst lr;
	_ =	strace $0xD0000000  }
0x3: {  	_ = 	snop  }
0x4: {  	_ = 	snop  }
0x5: {  	_ = 	snop  }
0x6: {  	_ = 	snop  }
0x7: {  	_ = 	snop  }
__scs_overlays_trampoline_lowered:
0x8: {  	[smem:$0x3FAE] =	sst s0  }
0x9: {  	[smem:$0x3FAF] =	sst s1  }
0xa: {  	[smem:$0x3FB0] =	sst s2  }
0xb: {  	[smem:$0x3FB1] =	sst s3  }
0xc: {  	[smem:$0x3FB2] =	sst s4  }
0xd: {  	[smem:$0x3FB3] =	sst s5  }
0xe: {  	[smem:$0x3FB4] =	sst s6  }
0xf: {  	[smem:$0x3FB5] =	sst s7  }
0x10: {  	[smem:$0x3FB6] =	sst s8  }
0x11: {  	[smem:$0x3FB7] =	sst s9;
	s0 =	simm.s32 @!p0 $0x0  }
0x12: {  	s1 =	sld [smem:$0x3F9D];
	s0 =	simm.s32 @p0 $0x1  }
0x13: {  	[smem:$0x3FB8] =	sst s0;
	s0 =	simm.s32 @!p1 $0x0  }
0x14: {  	s2 =	sld [smem:$0x3F9C];
	s0 =	simm.s32 @p1 $0x1  }
0x15: {  	[smem:$0x3FB9] =	sst s0;
	s0 =	simm.s32 @!p2 $0x0  }
0x16: {  	s3 =	sld [smem:$0x3FDB];
	s0 =	simm.s32 @p2 $0x1  }
0x17: {  	s4 =	simm.s32 $0x1BF5;
	[smem:$0x3FBB] =	sst s0  }
0x18: {  	s0 =	sld [smem:$0x3F9E];
	_ =	swait.ge [sflag:s4], $0x0  }
0x19: {  	s7 =	sld [smem:$0x3F9F]  }
0x1a: {  	s8 =	sadd.s32 $0xFFFFE003, lr  }
0x1b: {  	s9 =	sadd.s32 $0xFFFFFEF7, lr;
	s5 =	simm.s32 $0xFFFFFFFF;
	p2 =	slt.u32 s8, $0xFFFFF086  }
0x1c: {  	p1 =	slt.u32 s9, $0xF7A;
	s5 =	simm.s32 @!p2 $0x0  }
0x1d: {  	s5 =	simm.s32 @p1 $0x1;
	p0 =	seq.s32 s7, s2  }
0x1e: {  	s7 =	smul.u32 @!p0 $0xF7A, s2;
	p2 =	seq.s32 @!p0 s5, $0x0  }
0x1f: {  	s9 =	smul.u32 $0xF7A, s1;
	s8 =	simm.s32 @!p0 $0x1BF5;
	p2 =	por !p2, p0  }
0x20: {  	[sflag:s8] =	ssyncset.s32 @!p0 $0xFFFFF086;
	s6 =	sadd.s32 @!p0 s3, s7;
	s7 =	simm.s32 @!p0 $0x108  }
0x21: {  	s3 =	sadd.s32 s3, s9;
	s6 =	sadd.s32 @!p0 $0x88, s6;
	s7 =	simm.s32 @p2 $0x1082  }
0x22: {  	[simem:s7], [sflag:s8] =	dma.local @!p0 [hbm:s6], $0xF7A  }
0x23: {  	s9 =	sor.u32 $0xD0000000, s2;
	s6 =	simm.s32 $0x108;
	_ =	swait.ge @!p0 [sflag:s8], $0x0  }
0x24: {  	s3 =	sadd.s32 $0x88, s3;
	s6 =	simm.s32 @!p1 $0x1082;
	[sflag:s4] =	ssyncset.s32 $0xFFFFF086  }
0x25: {  	[simem:s6], [sflag:s4] =	dma.local [hbm:s3], $0xF7A  }
0x26: {  	[smem:$0x3F9F] =	sst s1;
	(tag) =	ssettag s2;
	_ =	strace s9  }
0x27: {  	s1 =	sld [smem:$0x3FAF]  }
0x28: {  	s2 =	sld [smem:$0x3FB0]  }
0x29: {  	s4 =	sld [smem:$0x3FB2]  }
0x2a: {  	p0 =	seq.s32 s5, $0x0;
	s5 =	sld [smem:$0x3FB3]  }
0x2b: {  	s6 =	sld [smem:$0x3FB4]  }
0x2c: {  	s7 =	sld [smem:$0x3FB5]  }
0x2d: {  	s3 =	simm.s32 $0x108;
	s8 =	sld [smem:$0x3FB6]  }
0x2e: {  	s3 =	simm.s32 @!p0 $0x1082;
	s9 =	sld [smem:$0x3FB7]  }
0x2f: {  	lr =	sadd.s32 s0, s3;
	s0 =	sld [smem:$0x3FAE]  }
0x30: {  	s3 =	sld [smem:$0x3FB1]  }
0x31: {  	[smem:$0x3FBA] =	sst s10  }
0x32: {  	s10 =	sld [smem:$0x3FB8];
	_ =	sdelay $0x3  }
0x33: {  	p0 =	seq.s32 s10, $0x1;
	s10 =	sld [smem:$0x3FBA];
	_ =	sdelay $0x3  }
0x34: {  	[smem:$0x3FBA] =	sst s10  }
0x35: {  	s10 =	sld [smem:$0x3FB9];
	_ =	sdelay $0x3  }
0x36: {  	p1 =	seq.s32 s10, $0x1;
	s10 =	sld [smem:$0x3FBA];
	_ =	sdelay $0x3  }
0x37: {  	[smem:$0x3FBA] =	sst s10  }
0x38: {  	s10 =	sld [smem:$0x3FBB]  }
0x39: {  	_ = 	snop;
	(pc) =	sbr.ind lr, $3  }
0x3a: {  	_ = 	snop  }
0x3b: {  	_ = 	snop  }
0x3c: {  	p2 =	seq.s32 s10, $0x1;
	s10 =	sld [smem:$0x3FBA]  }
0x3d: {  	_ =	shalt  }
0x3e: {  	_ =	shalt  }
0x3f: {  	_ =	shalt  }
0x40: {  	_ =	shalt  }
0x41: {  	_ =	shalt  }
0x42: {  	_ =	shalt  }
0x43: {  	_ =	shalt  }
0x44: {  	_ =	shalt  }
0x45: {  	_ =	shalt  }
0x46: {  	_ =	shalt  }
0x47: {  	_ =	shalt  }
0x48: {  	_ =	shalt  }
0x49: {  	_ =	shalt  }
0x4a: {  	_ =	shalt  }
0x4b: {  	_ =	shalt  }
0x4c: {  	_ =	shalt  }
0x4d: {  	_ =	shalt  }
0x4e: {  	_ =	shalt  }
0x4f: {  	_ =	shalt  }
0x50: {  	_ =	shalt  }
0x51: {  	_ =	shalt  }
0x52: {  	_ =	shalt  }
0x53: {  	_ =	shalt  }
0x54: {  	_ =	shalt  }
0x55: {  	_ =	shalt  }
0x56: {  	_ =	shalt  }
0x57: {  	_ =	shalt  }
0x58: {  	_ =	shalt  }
0x59: {  	_ =	shalt  }
0x5a: {  	_ =	shalt  }
0x5b: {  	_ =	shalt  }
0x5c: {  	_ =	shalt  }
0x5d: {  	_ =	shalt  }
0x5e: {  	_ =	shalt  }
0x5f: {  	_ =	shalt  }
0x60: {  	_ =	shalt  }
0x61: {  	_ =	shalt  }
0x62: {  	_ =	shalt  }
0x63: {  	_ =	shalt  }
0x64: {  	_ =	shalt  }
0x65: {  	_ =	shalt  }
0x66: {  	_ =	shalt  }
0x67: {  	_ =	shalt  }
0x68: {  	_ =	shalt  }
0x69: {  	_ =	shalt  }
0x6a: {  	_ =	shalt  }
0x6b: {  	_ =	shalt  }
0x6c: {  	_ =	shalt  }
0x6d: {  	_ =	shalt  }
0x6e: {  	_ =	shalt  }
0x6f: {  	_ =	shalt  }
0x70: {  	_ =	shalt  }
0x71: {  	_ =	shalt  }
0x72: {  	_ =	shalt  }
0x73: {  	_ =	shalt  }
0x74: {  	_ =	shalt  }
0x75: {  	_ =	shalt  }
0x76: {  	_ =	shalt  }
0x77: {  	_ =	shalt  }
0x78: {  	_ =	shalt  }
0x79: {  	_ =	shalt  }
0x7a: {  	_ =	shalt  }
0x7b: {  	_ =	shalt  }
0x7c: {  	_ =	shalt  }
0x7d: {  	_ =	shalt  }
0x7e: {  	_ =	shalt  }
0x7f: {  	_ =	shalt  }
0x80: {  	_ =	shalt  }
0x81: {  	_ =	shalt  }
0x82: {  	_ =	shalt  }
0x83: {  	_ =	shalt  }
0x84: {  	_ =	shalt  }
0x85: {  	_ =	shalt  }
0x86: {  	_ =	shalt  }
0x87: {  	_ =	shalt  }
.Lfunc_end0:
.L_simem_size_0:
called_computation_lowered:
.L_overlay_start_0:
0x88: {  	s2 =	sld [smem:$0x3FD9]  }
0x89: {  	s3 =	sld [smem:$0x3FFE];
	_ =	sdelay $0x1  }
0x8a: {  	s1 =	srdreg.scid  }
0x8b: {  	s0 =	sand.u32 $0x1, s1  }
0x8c: {  	s14 =	sshll.u32 s0, $0xA;
	s2 =	sadd.s32 s3, s2  }
0x8d: {  	s2 =	sadd.s32 s2, s14  }
0x8e: {  	[smem:$0x3FC6] =	sst s2  }
0x8f: {  	_ = 	snop  }
0x90: {  	s2 =	sld [smem:$0x3FD0];
	_ =	sdelay $0x2  }
0x91: {  	s4 =	simm.s32 $0xA;
	s5 =	simm.s32 $0x10;
	s15 =	sld [smem:$0x3FC8]  }
0x92: {  	[smem:s5], [sflag:s4] =	dma.local [hbm:s2], $0x1  }
0x93: {  	_ =	swait.eq [sflag:s4], $0x1  }
0x94: {  	[sflag:s4] =	ssyncset.done $0x0  }
0x95: {  	[sflag:s4] =	ssyncadd.s32 $0xFFFFFFFF  }
0x96: {  	s16 =	sld [smem:$0x10];
	(tm) =	ssettm $0x1  }
0x97: {  	s17 =	sld [smem:$0x3FFB];
	_ =	sdelay $0x3  }
0x98: {  	_ =	strace s17  }
0x99: {  	s4 =	sld [smem:$0x3FFC];
	_ =	sdelay $0x3  }
0x9a: {  	_ =	strace s4  }
0x9b: {  	s4 =	sld [smem:$0x3FFD];
	_ =	sdelay $0x3  }
0x9c: {  	_ =	strace s4  }
0x9d: {  	_ =	strace $0x8FFFFFFF  }
0x9e: {  	s18 =	sld [smem:$0x3FDB];
	_ =	sdelay $0x1  }
0x9f: {  	s19 =	simm.s32 $_scs_section_size  }
0xa0: {  	s6 =	simm.s32 $_size__tile_overlayer_lowered;
	s7 =	simm.s32 $_tile_overlayer_lowered  }
0xa1: {  	s22 =	simm.s32 $0x1BFF;
	s21 =	sshll.u32 s7, $0x1;
	s4 =	sadd.s32 s19, s18  }
0xa2: {  	s8 =	simm.s32 $0x0;
	s20 =	sshll.u32 s6, $0x1;
	s6 =	sadd.s32 s21, s4  }
0xa3: {  	[timem:s8], [sflag:s22] =	dma.local [hbm:s6], s20  }
0xa4: {  	_ =	swait.ge [sflag:s22], s20  }
0xa5: {  	s5 =	ssub.s32 $0x0, s20;
	[sflag:s22] =	ssyncset.done $0x0  }
0xa6: {  	[sflag:s22] =	ssyncadd.s32 s5;
	_ =	sdelay $0x1  }
0xa7: {  	s23 =	simm.s32 $0x1B8B  }
0xa8: {  	_ =	swait.ge [sflag:s23], $0x1  }
0xa9: {  	[sflag:s23] =	ssyncset.done $0x0  }
0xaa: {  	s25 =	simm.s32 $0x1B8E;
	s24 =	sld [smem:$0x3FFE];
	[sflag:s23] =	ssyncadd.s32 $0xFFFFFFFF  }
0xab: {  	s26 =	simm.s32 $execute0_lowered;
	[smem:$0x3FD2] =	sst s25  }
0xac: {  	s6 =	sshll.u32 s26, $0x1;
	_ =	strace $0x80000046;
	[dreg:$0x1] =	wrdreg $0xFFFFFFFF  }
0xad: {  	s28 =	simm.s32 $_size_execute0_lowered;
	s4 =	sadd.s32 s4, s6;
	[dreg:$0x0] =	wrdreg $0x0  }
0xae: {  	s6 =	sshll.u32 s28, $0x1;
	[dreg:$0x2] =	wrdreg s4  }
0xaf: {  	[dreg:$0x3] =	wrdreg s6  }
0xb0: {  	[dreg:$0x4] =	wrdreg $0xC0  }
0xb1: {  	_ =	task [dreg:s8], $0x5FFFF  }
0xb2: {  	[dreg:$0x1] =	wrdreg $0xFFFFFFFF  }
0xb3: {  	[dreg:$0x0] =	wrdreg $0x60  }
0xb4: {  	[dreg:$0x2] =	wrdreg s15  }
0xb5: {  	[dreg:$0x3] =	wrdreg s24  }
0xb6: {  	[dreg:$0x4] =	wrdreg s16  }
0xb7: {  	[dreg:$0x5] =	wrdreg $0x9  }
0xb8: {  	_ =	task.clear_ibuf [dreg:s8], $0x6FFFF;
	_ =	strace $0x90000046  }
0xb9: {  	s29 =	simm.s32 $0x9;
	_ =	strace $0x80000048  }
0xba: {  	_ =	swait.ge [sflag:s29], $0x1  }
0xbb: {  	[sflag:s29] =	ssyncadd.s32 $0xFFFFFFFF  }
0xbc: {  	_ =	strace $0x90000048  }
0xbd: {  	_ =	sfence  }
0xbe: {  	s30 =	sld [smem:$0x0];
	_ =	sdelay $0x2  }
0xbf: {  	s31 =	sshll.u32 s1, $0xD;
	s1 =	sshrl.u32 s1, $0x2  }
0xc0: {  	s3 =	sand.u32 $0x4000, s31;
	s1 =	sadd.s32 s1, s30  }
0xc1: {  	s0 =	sor.u32 s3, s0;
	s1 =	sshll.u32 s1, $0x11  }
0xc2: {  	s0 =	sor.u32 s1, s0  }
0xc3: {  	s0 =	sadd.s32 $0x8F2B, s0  }
0xc4: {  	[sflag:s0] =	ssyncadd.remote.s32 $0x1  }
0xc5: {  	_ =	sfence.sel $0xFFFF  }
0xc6: {  	[dreg:$0x0] =	wrdreg $0xFFFFFFFF;
	(pc) =	sbr.abs _section_cstart, $3  }
0xc7: {  	[dreg:$0x1] =	wrdreg $0xFFFFFFFF  }
0xc8: {  	_ =	task.clear_ibuf [dreg:s8], $0x2FFFF;
	_ =	strace $0x9FFFFFFF  }
0xc9: {  	(tm) =	ssettm $0x7FFFFFFF  }
tec
execute0_lowered:
.L_overlay_start_1:
0x0: {  	(tag) =	ssettag $0x1  }
0x1: {  	s1 =	rddreg [dreg:$0x0]  }
0x2: {  	s0 =	rddreg [dreg:$0x1]  }
0x3: {  	s3 =	rddreg [dreg:$0x2];
	s2 =	simm.s32 $0x0;
	s4 =	srdreg.scid  }
0x4: {  	s8 =	stileid.u32;
	s14 =	simm.s32 $0x2;
	s15 =	simm.s32 $0x200  }
0x5: {  	s16 =	simm.s32 $0xA00;
	s28 =	simm.s32 $0x6200;
	s29 =	simm.s32 $0x6A00  }
0x6: {  	s30 =	simm.s32 $0x7200;
	s31 =	simm.s32 $0x7A00;
	[smem:$0x7FF] =	sst s2  }
0x7: {  	s5 =	sadd.s32 $0xE00, s0;
	s4 =	sand.u32 $0x1, s4;
	s6 =	sshll.u32 s8, $0xB  }
0x8: {  	s8 =	sshll.u32 s8, $0x1;
	_ =	strace $0x80000047;
	s7 =	ssub.s32 $0x2, s4  }
0x9: {  	s6 =	sand.u32 $0x6000, s6;
	s4 =	sor.u32 s4, s8;
	s9 =	sshrl.u32 s7, $0x1  }
0xa: {  	s0 =	sadd.s32 s6, s0;
	s18 =	sshll.u32 s4, $0x6;
	s19 =	sshll.u32 s4, $0x9  }
0xb: {  	s20 =	sshll.u32 s4, $0xE;
	s4 =	sshll.u32 s4, $0x4;
	s17 =	ssub.s32 s7, s9  }
0xc: {  	s7 =	sadd.s32 s5, s18;
	s21 =	sor.u32 $0x80, s19;
	s10 =	sor.u32 $0x100, s19  }
0xd: {  	s24 =	sor.u32 $0x180, s19;
	s4 =	sand.u32 $0x70, s4;
	s18 =	simm.s32 $0x1A00  }
0xe: {  	s19 =	simm.s32 $0x2200;
	[dreg:$0x4] =	wrdreg s7;
	s7 =	sadd.s32 s3, s20  }
0xf: {  	s22 =	sshrl.u32 s21, $0x3;
	s11 =	sshrl.u32 s10, $0x3;
	s23 =	sshll.u32 s10, $0x5  }
0x10: {  	s25 =	sshrl.u32 s24, $0x3;
	s26 =	sshll.u32 s24, $0x5;
	s0 =	sadd.s32 s4, s0  }
0x11: {  	s13 =	smax.u32 s17, $0x1;
	s17 =	simm.s32 $0x1200;
	s20 =	simm.s32 $0x2A00  }
0x12: {  	s24 =	simm.s32 $0x4A00;
	s4 =	simm.s32 $0x80;
	[dreg:$0x5] =	wrdreg s7  }
0x13: {  	s7 =	sshll.u32 s21, $0x5;
	s8 =	sadd.s32 s5, s22;
	s9 =	sadd.s32 s3, s23  }
0x14: {  	s10 =	sadd.s32 s5, s25;
	s12 =	sadd.s32 $0x1600, s0;
	s21 =	simm.s32 $0x3200  }
0x15: {  	s22 =	simm.s32 $0x3A00;
	s23 =	simm.s32 $0x4200;
	s25 =	simm.s32 $0x5200  }
0x16: {  	v3 =	vlaneseq.u32;
	v0 =	vimm.f32 $0.0e+00;
	s0 =	simm.s32 $0x1;
	[dreg:$0x6] =	wrdreg s8;
	s7 =	sadd.s32 s3, s7  }
0x17: {  	vm0 =	vmmov $0xffff;
	v4 =	vimm.f32 $1.000000000e+00;
	v2 =	vshrl.u32 v3, $0x3;
	s8 =	sadd.s32 s5, s11;
	s11 =	sadd.s32 s3, s26;
	s26 =	simm.s32 $0x5A00  }
0x18: {  	v1 =	vand.u32 $0x7, v3;
	v3 =	vor.u32 $0x8, v3;
	v2 =	vmul.u32 $0x8, v2;
	s3 =	simm.s32 $0x8200;
	s5 =	simm.s32 $0x0;
	[dreg:$0x7] =	wrdreg s7  }
.LBB2_1:
0x19: {  	s6 =	simm.s32 $0x8240  }
0x1a: {  	[tilespmem:s6+$0xFFFFFFC0] =	vst v0  }
0x1b: {  	[tilespmem:s6+$0x30] =	vst v0  }
0x1c: {  	[tilespmem:s6+$0x20] =	vst v0  }
0x1d: {  	[tilespmem:s6+$0x10] =	vst v0  }
0x1e: {  	[tilespmem:s6+$0x0] =	vst v0  }
0x1f: {  	[tilespmem:s6+$0xFFFFFFF0] =	vst v0  }
0x20: {  	s7 =	simm.s32 $0x0;
	[tilespmem:s6+$0xFFFFFFE0] =	vst v0  }
.LBB2_2:
0x21: {  	s7 =	sadd.s32 $0x8, s7;
	[tilespmem:s6+$0xFFFFFFD0] =	vst v0;
	s6 =	sadd.s32 $0x80, s6  }
0x22: {  	[tilespmem:s6+$0xFFFFFFC0] =	vst v0;
	p0 =	slt.u32 s7, $0x1F8  }
0x23: {  	[tilespmem:s6+$0x30] =	vst v0  }
.Ltmp0:
0x24: {  	[tilespmem:s6+$0x20] =	vst v0;
	(pc) =	sbr.rel @p0 .LBB2_2-.Ltmp0, $4  }
0x25: {  	[tilespmem:s6+$0x10] =	vst v0  }
0x26: {  	[tilespmem:s6+$0x0] =	vst v0  }
0x27: {  	[tilespmem:s6+$0xFFFFFFF0] =	vst v0  }
0x28: {  	[tilespmem:s6+$0xFFFFFFE0] =	vst v0  }
0x29: {  	[tilespmem:s6+$0xFFFFFFD0] =	vst v0;
	s7 =	rddreg [dreg:$0x4]  }
0x2a: {  	[tilespmem:s2], [sflag:$0x2] =	stream.linear.gather [hbm4b:s7+s2], $0x80, $0x38;
	[tilespmem:$0xA200] =	vst v63  }
0x2b: {  	_ =	swait.ge [sflag:s14], $0x80  }
0x2c: {  	[sflag:s14] =	ssyncset.done $0x0  }
0x2d: {  	[sflag:s14] =	ssyncadd.s32 $0xFFFFFF80  }
0x2e: {  	v5 =	vld [tilespmem:$0x0];
	_ =	sdelay $0x4  }
0x2f: {  	v6 =	vshll.u32 v5, $0x1  }
0x30: {  	v5 =	vand.u32 $0x7, v5;
	v6 =	vand.u32 $0xFFFFFFF0, v6  }
0x31: {  	v5 =	vor.u32 v5, v6  }
0x32: {  	v6 =	vperm.xlane v5, v1;
	_ =	sdelay $0x1  }
0x33: {  	v5 =	vperm.xlane v5, v3;
	v6 =	vadd.s32 v2, v6;
	_ =	sdelay $0x1  }
0x34: {  	v5 =	vadd.s32 v2, v5;
	_ =	sdelay $0x2  }
0x35: {  	[tilespmem:s15], [sflag:$0x1] =	stream.indirect_vreg.gather [hbm4b:s1+s2], $0x80, v6, vm0, $0xb8;
	[tilespmem:$0xA200] =	vst v63  }
0x36: {  	_ = 	snop  }
0x37: {  	[tilespmem:s16], [sflag:$0x1] =	stream.indirect_vreg.gather [hbm4b:s1+s2], $0x80, v5, vm0, $0xb8;
	[tilespmem:$0xA200] =	vst v63  }
0x38: {  	v5 =	vld [tilespmem:$0x10];
	_ =	sdelay $0x4  }
0x39: {  	v6 =	vshll.u32 v5, $0x1  }
0x3a: {  	v5 =	vand.u32 $0x7, v5;
	v6 =	vand.u32 $0xFFFFFFF0, v6  }
0x3b: {  	v5 =	vor.u32 v5, v6  }
0x3c: {  	v6 =	vperm.xlane v5, v1;
	_ =	sdelay $0x1  }
0x3d: {  	v5 =	vperm.xlane v5, v3;
	v6 =	vadd.s32 v2, v6;
	_ =	sdelay $0x1  }
0x3e: {  	v5 =	vadd.s32 v2, v5;
	_ =	sdelay $0x2  }
0x3f: {  	[tilespmem:s17], [sflag:$0x1] =	stream.indirect_vreg.gather [hbm4b:s1+s2], $0x80, v6, vm0, $0xb8;
	[tilespmem:$0xA200] =	vst v63  }
0x40: {  	_ = 	snop  }
0x41: {  	[tilespmem:s18], [sflag:$0x1] =	stream.indirect_vreg.gather [hbm4b:s1+s2], $0x80, v5, vm0, $0xb8;
	[tilespmem:$0xA200] =	vst v63  }
0x42: {  	v5 =	vld [tilespmem:$0x20];
	_ =	sdelay $0x4  }
0x43: {  	v6 =	vshll.u32 v5, $0x1  }
0x44: {  	v5 =	vand.u32 $0x7, v5;
	v6 =	vand.u32 $0xFFFFFFF0, v6  }
0x45: {  	v5 =	vor.u32 v5, v6  }
0x46: {  	v6 =	vperm.xlane v5, v1;
	_ =	sdelay $0x1  }
0x47: {  	v5 =	vperm.xlane v5, v3;
	v6 =	vadd.s32 v2, v6;
	_ =	sdelay $0x1  }
0x48: {  	v5 =	vadd.s32 v2, v5;
	_ =	sdelay $0x2  }
0x49: {  	[tilespmem:s19], [sflag:$0x1] =	stream.indirect_vreg.gather [hbm4b:s1+s2], $0x80, v6, vm0, $0xb8;
	[tilespmem:$0xA200] =	vst v63  }
0x4a: {  	_ = 	snop  }
0x4b: {  	[tilespmem:s20], [sflag:$0x1] =	stream.indirect_vreg.gather [hbm4b:s1+s2], $0x80, v5, vm0, $0xb8;
	[tilespmem:$0xA200] =	vst v63  }
0x4c: {  	v5 =	vld [tilespmem:$0x30];
	_ =	sdelay $0x4  }
0x4d: {  	v6 =	vshll.u32 v5, $0x1  }
0x4e: {  	v5 =	vand.u32 $0x7, v5;
	v6 =	vand.u32 $0xFFFFFFF0, v6  }
0x4f: {  	v5 =	vor.u32 v5, v6  }
0x50: {  	v6 =	vperm.xlane v5, v1;
	_ =	sdelay $0x1  }
0x51: {  	v5 =	vperm.xlane v5, v3;
	v6 =	vadd.s32 v2, v6;
	_ =	sdelay $0x1  }
0x52: {  	v5 =	vadd.s32 v2, v5;
	_ =	sdelay $0x2  }
0x53: {  	[tilespmem:s21], [sflag:$0x1] =	stream.indirect_vreg.gather [hbm4b:s1+s2], $0x80, v6, vm0, $0xb8;
	[tilespmem:$0xA200] =	vst v63  }
0x54: {  	_ = 	snop  }
0x55: {  	[tilespmem:s22], [sflag:$0x1] =	stream.indirect_vreg.gather [hbm4b:s1+s2], $0x80, v5, vm0, $0xb8;
	[tilespmem:$0xA200] =	vst v63  }
0x56: {  	v5 =	vld [tilespmem:$0x40];
	_ =	sdelay $0x4  }
0x57: {  	v6 =	vshll.u32 v5, $0x1  }
0x58: {  	v5 =	vand.u32 $0x7, v5;
	v6 =	vand.u32 $0xFFFFFFF0, v6  }
0x59: {  	v5 =	vor.u32 v5, v6  }
0x5a: {  	v6 =	vperm.xlane v5, v1;
	_ =	sdelay $0x1  }
0x5b: {  	v5 =	vperm.xlane v5, v3;
	v6 =	vadd.s32 v2, v6;
	_ =	sdelay $0x1  }
0x5c: {  	v5 =	vadd.s32 v2, v5;
	_ =	sdelay $0x2  }
0x5d: {  	[tilespmem:s23], [sflag:$0x1] =	stream.indirect_vreg.gather [hbm4b:s1+s2], $0x80, v6, vm0, $0xb8;
	[tilespmem:$0xA200] =	vst v63  }
0x5e: {  	_ = 	snop  }
0x5f: {  	[tilespmem:s24], [sflag:$0x1] =	stream.indirect_vreg.gather [hbm4b:s1+s2], $0x80, v5, vm0, $0xb8;
	[tilespmem:$0xA200] =	vst v63  }
0x60: {  	v5 =	vld [tilespmem:$0x50];
	_ =	sdelay $0x4  }
0x61: {  	v6 =	vshll.u32 v5, $0x1  }
0x62: {  	v5 =	vand.u32 $0x7, v5;
	v6 =	vand.u32 $0xFFFFFFF0, v6  }
0x63: {  	v5 =	vor.u32 v5, v6  }
0x64: {  	v6 =	vperm.xlane v5, v1;
	_ =	sdelay $0x1  }
0x65: {  	v5 =	vperm.xlane v5, v3;
	v6 =	vadd.s32 v2, v6;
	_ =	sdelay $0x1  }
0x66: {  	v5 =	vadd.s32 v2, v5;
	_ =	sdelay $0x2  }
0x67: {  	[tilespmem:s25], [sflag:$0x1] =	stream.indirect_vreg.gather [hbm4b:s1+s2], $0x80, v6, vm0, $0xb8;
	[tilespmem:$0xA200] =	vst v63  }
0x68: {  	_ = 	snop  }
0x69: {  	[tilespmem:s26], [sflag:$0x1] =	stream.indirect_vreg.gather [hbm4b:s1+s2], $0x80, v5, vm0, $0xb8;
	[tilespmem:$0xA200] =	vst v63  }
0x6a: {  	v5 =	vld [tilespmem:$0x60];
	_ =	sdelay $0x4  }
0x6b: {  	v6 =	vshll.u32 v5, $0x1  }
0x6c: {  	v5 =	vand.u32 $0x7, v5;
	v6 =	vand.u32 $0xFFFFFFF0, v6  }
0x6d: {  	v5 =	vor.u32 v5, v6  }
0x6e: {  	v6 =	vperm.xlane v5, v1;
	_ =	sdelay $0x1  }
0x6f: {  	v5 =	vperm.xlane v5, v3;
	v6 =	vadd.s32 v2, v6;
	_ =	sdelay $0x1  }
0x70: {  	v5 =	vadd.s32 v2, v5;
	_ =	sdelay $0x2  }
0x71: {  	[tilespmem:s28], [sflag:$0x1] =	stream.indirect_vreg.gather [hbm4b:s1+s2], $0x80, v6, vm0, $0xb8;
	[tilespmem:$0xA200] =	vst v63  }
0x72: {  	_ = 	snop  }
0x73: {  	[tilespmem:s29], [sflag:$0x1] =	stream.indirect_vreg.gather [hbm4b:s1+s2], $0x80, v5, vm0, $0xb8;
	[tilespmem:$0xA200] =	vst v63  }
0x74: {  	v5 =	vld [tilespmem:$0x70];
	_ =	sdelay $0x4  }
0x75: {  	v6 =	vshll.u32 v5, $0x1  }
0x76: {  	v5 =	vand.u32 $0x7, v5;
	v6 =	vand.u32 $0xFFFFFFF0, v6  }
0x77: {  	v5 =	vor.u32 v5, v6  }
0x78: {  	v6 =	vperm.xlane v5, v1;
	_ =	sdelay $0x1  }
0x79: {  	v5 =	vperm.xlane v5, v3;
	v6 =	vadd.s32 v2, v6;
	_ =	sdelay $0x1  }
0x7a: {  	v5 =	vadd.s32 v2, v5;
	_ =	sdelay $0x2  }
0x7b: {  	[tilespmem:s30], [sflag:$0x1] =	stream.indirect_vreg.gather [hbm4b:s1+s2], $0x80, v6, vm0, $0xb8;
	[tilespmem:$0xA200] =	vst v63  }
0x7c: {  	_ = 	snop  }
0x7d: {  	[tilespmem:s31], [sflag:$0x1] =	stream.indirect_vreg.gather [hbm4b:s1+s2], $0x80, v5, vm0, $0xb8;
	[tilespmem:$0xA200] =	vst v63  }
0x7e: {  	_ =	swait.ge [sflag:s0], $0x8000  }
0x7f: {  	[sflag:s0] =	ssyncset.done $0x0  }
0x80: {  	s7 =	rddreg [dreg:$0x5];
	[sflag:s0] =	ssyncadd.s32 $0xFFFF8000  }
0x81: {  	[hbm4b:s7+s2] =	stream.linear.scatter [tilespmem:s15], [sflag:$0x2], $0x8000, $0x38;
	[tilespmem:$0xA200] =	vst v63  }
0x82: {  	_ =	swait.ge [sflag:s14], $0x8000  }
0x83: {  	[sflag:s14] =	ssyncset.done $0x0  }
0x84: {  	[sflag:s14] =	ssyncadd.s32 $0xFFFF8000  }
0x85: {  	v5 =	vld [tilespmem:$0x0];
	_ =	sdelay $0x7  }
0x86: {  	[tilespmem:v5+s3+$0x0] =	vst.idx.add.f32.msk $0xffff, v4  }
0x87: {  	v5 =	vld [tilespmem:$0x10];
	_ =	sdelay $0x7  }
0x88: {  	[tilespmem:v5+s3+$0x0] =	vst.idx.add.f32.msk $0xffff, v4  }
0x89: {  	v5 =	vld [tilespmem:$0x20];
	_ =	sdelay $0x7  }
0x8a: {  	[tilespmem:v5+s3+$0x0] =	vst.idx.add.f32.msk $0xffff, v4  }
0x8b: {  	v5 =	vld [tilespmem:$0x30];
	_ =	sdelay $0x7  }
0x8c: {  	[tilespmem:v5+s3+$0x0] =	vst.idx.add.f32.msk $0xffff, v4  }
0x8d: {  	v5 =	vld [tilespmem:$0x40];
	_ =	sdelay $0x7  }
0x8e: {  	[tilespmem:v5+s3+$0x0] =	vst.idx.add.f32.msk $0xffff, v4  }
0x8f: {  	v5 =	vld [tilespmem:$0x50];
	_ =	sdelay $0x7  }
0x90: {  	[tilespmem:v5+s3+$0x0] =	vst.idx.add.f32.msk $0xffff, v4  }
0x91: {  	v5 =	vld [tilespmem:$0x60];
	_ =	sdelay $0x7  }
0x92: {  	[tilespmem:v5+s3+$0x0] =	vst.idx.add.f32.msk $0xffff, v4  }
0x93: {  	v5 =	vld [tilespmem:$0x70];
	_ =	sdelay $0x7  }
0x94: {  	s7 =	rddreg [dreg:$0x6];
	[tilespmem:v5+s3+$0x0] =	vst.idx.add.f32.msk $0xffff, v4  }
0x95: {  	[tilespmem:s4], [sflag:$0x2] =	stream.linear.gather [hbm4b:s7+s2], $0x80, $0x38;
	[tilespmem:$0xA200] =	vst v63  }
0x96: {  	_ =	swait.ge [sflag:s14], $0x80  }
0x97: {  	[sflag:s14] =	ssyncset.done $0x0  }
0x98: {  	[sflag:s14] =	ssyncadd.s32 $0xFFFFFF80  }
0x99: {  	v5 =	vld [tilespmem:$0x80];
	_ =	sdelay $0x4  }
0x9a: {  	v6 =	vshll.u32 v5, $0x1  }
0x9b: {  	v5 =	vand.u32 $0x7, v5;
	v6 =	vand.u32 $0xFFFFFFF0, v6  }
0x9c: {  	v5 =	vor.u32 v5, v6  }
0x9d: {  	v6 =	vperm.xlane v5, v1;
	_ =	sdelay $0x1  }
0x9e: {  	v5 =	vperm.xlane v5, v3;
	v6 =	vadd.s32 v2, v6;
	_ =	sdelay $0x1  }
0x9f: {  	v5 =	vadd.s32 v2, v5;
	_ =	sdelay $0x2  }
0xa0: {  	[tilespmem:s15], [sflag:$0x1] =	stream.indirect_vreg.gather [hbm4b:s1+s2], $0x80, v6, vm0, $0xb8;
	[tilespmem:$0xA200] =	vst v63  }
0xa1: {  	_ = 	snop  }
0xa2: {  	[tilespmem:s16], [sflag:$0x1] =	stream.indirect_vreg.gather [hbm4b:s1+s2], $0x80, v5, vm0, $0xb8;
	[tilespmem:$0xA200] =	vst v63  }
0xa3: {  	v5 =	vld [tilespmem:$0x90];
	_ =	sdelay $0x4  }
0xa4: {  	v6 =	vshll.u32 v5, $0x1  }
0xa5: {  	v5 =	vand.u32 $0x7, v5;
	v6 =	vand.u32 $0xFFFFFFF0, v6  }
0xa6: {  	v5 =	vor.u32 v5, v6  }
0xa7: {  	v6 =	vperm.xlane v5, v1;
	_ =	sdelay $0x1  }
0xa8: {  	v5 =	vperm.xlane v5, v3;
	v6 =	vadd.s32 v2, v6;
	_ =	sdelay $0x1  }
0xa9: {  	v5 =	vadd.s32 v2, v5;
	_ =	sdelay $0x2  }
0xaa: {  	[tilespmem:s17], [sflag:$0x1] =	stream.indirect_vreg.gather [hbm4b:s1+s2], $0x80, v6, vm0, $0xb8;
	[tilespmem:$0xA200] =	vst v63  }
0xab: {  	_ = 	snop  }
0xac: {  	[tilespmem:s18], [sflag:$0x1] =	stream.indirect_vreg.gather [hbm4b:s1+s2], $0x80, v5, vm0, $0xb8;
	[tilespmem:$0xA200] =	vst v63  }
0xad: {  	v5 =	vld [tilespmem:$0xA0];
	_ =	sdelay $0x4  }
0xae: {  	v6 =	vshll.u32 v5, $0x1  }
0xaf: {  	v5 =	vand.u32 $0x7, v5;
	v6 =	vand.u32 $0xFFFFFFF0, v6  }
0xb0: {  	v5 =	vor.u32 v5, v6  }
0xb1: {  	v6 =	vperm.xlane v5, v1;
	_ =	sdelay $0x1  }
0xb2: {  	v5 =	vperm.xlane v5, v3;
	v6 =	vadd.s32 v2, v6;
	_ =	sdelay $0x1  }
0xb3: {  	v5 =	vadd.s32 v2, v5;
	_ =	sdelay $0x2  }
0xb4: {  	[tilespmem:s19], [sflag:$0x1] =	stream.indirect_vreg.gather [hbm4b:s1+s2], $0x80, v6, vm0, $0xb8;
	[tilespmem:$0xA200] =	vst v63  }
0xb5: {  	_ = 	snop  }
0xb6: {  	[tilespmem:s20], [sflag:$0x1] =	stream.indirect_vreg.gather [hbm4b:s1+s2], $0x80, v5, vm0, $0xb8;
	[tilespmem:$0xA200] =	vst v63  }
0xb7: {  	v5 =	vld [tilespmem:$0xB0];
	_ =	sdelay $0x4  }
0xb8: {  	v6 =	vshll.u32 v5, $0x1  }
0xb9: {  	v5 =	vand.u32 $0x7, v5;
	v6 =	vand.u32 $0xFFFFFFF0, v6  }
0xba: {  	v5 =	vor.u32 v5, v6  }
0xbb: {  	v6 =	vperm.xlane v5, v1;
	_ =	sdelay $0x1  }
0xbc: {  	v5 =	vperm.xlane v5, v3;
	v6 =	vadd.s32 v2, v6;
	_ =	sdelay $0x1  }
0xbd: {  	v5 =	vadd.s32 v2, v5;
	_ =	sdelay $0x2  }
0xbe: {  	[tilespmem:s21], [sflag:$0x1] =	stream.indirect_vreg.gather [hbm4b:s1+s2], $0x80, v6, vm0, $0xb8;
	[tilespmem:$0xA200] =	vst v63  }
0xbf: {  	_ = 	snop  }
0xc0: {  	[tilespmem:s22], [sflag:$0x1] =	stream.indirect_vreg.gather [hbm4b:s1+s2], $0x80, v5, vm0, $0xb8;
	[tilespmem:$0xA200] =	vst v63  }
0xc1: {  	v5 =	vld [tilespmem:$0xC0];
	_ =	sdelay $0x4  }
0xc2: {  	v6 =	vshll.u32 v5, $0x1  }
0xc3: {  	v5 =	vand.u32 $0x7, v5;
	v6 =	vand.u32 $0xFFFFFFF0, v6  }
0xc4: {  	v5 =	vor.u32 v5, v6  }
0xc5: {  	v6 =	vperm.xlane v5, v1;
	_ =	sdelay $0x1  }
0xc6: {  	v5 =	vperm.xlane v5, v3;
	v6 =	vadd.s32 v2, v6;
	_ =	sdelay $0x1  }
0xc7: {  	v5 =	vadd.s32 v2, v5;
	_ =	sdelay $0x2  }
0xc8: {  	[tilespmem:s23], [sflag:$0x1] =	stream.indirect_vreg.gather [hbm4b:s1+s2], $0x80, v6, vm0, $0xb8;
	[tilespmem:$0xA200] =	vst v63  }
0xc9: {  	_ = 	snop  }
0xca: {  	[tilespmem:s24], [sflag:$0x1] =	stream.indirect_vreg.gather [hbm4b:s1+s2], $0x80, v5, vm0, $0xb8;
	[tilespmem:$0xA200] =	vst v63  }
0xcb: {  	v5 =	vld [tilespmem:$0xD0];
	_ =	sdelay $0x4  }
0xcc: {  	v6 =	vshll.u32 v5, $0x1  }
0xcd: {  	v5 =	vand.u32 $0x7, v5;
	v6 =	vand.u32 $0xFFFFFFF0, v6  }
0xce: {  	v5 =	vor.u32 v5, v6  }
0xcf: {  	v6 =	vperm.xlane v5, v1;
	_ =	sdelay $0x1  }
0xd0: {  	v5 =	vperm.xlane v5, v3;
	v6 =	vadd.s32 v2, v6;
	_ =	sdelay $0x1  }
0xd1: {  	v5 =	vadd.s32 v2, v5;
	_ =	sdelay $0x2  }
0xd2: {  	[tilespmem:s25], [sflag:$0x1] =	stream.indirect_vreg.gather [hbm4b:s1+s2], $0x80, v6, vm0, $0xb8;
	[tilespmem:$0xA200] =	vst v63  }
0xd3: {  	_ = 	snop  }
0xd4: {  	[tilespmem:s26], [sflag:$0x1] =	stream.indirect_vreg.gather [hbm4b:s1+s2], $0x80, v5, vm0, $0xb8;
	[tilespmem:$0xA200] =	vst v63  }
0xd5: {  	v5 =	vld [tilespmem:$0xE0];
	_ =	sdelay $0x4  }
0xd6: {  	v6 =	vshll.u32 v5, $0x1  }
0xd7: {  	v5 =	vand.u32 $0x7, v5;
	v6 =	vand.u32 $0xFFFFFFF0, v6  }
0xd8: {  	v5 =	vor.u32 v5, v6  }
0xd9: {  	v6 =	vperm.xlane v5, v1;
	_ =	sdelay $0x1  }
0xda: {  	v5 =	vperm.xlane v5, v3;
	v6 =	vadd.s32 v2, v6;
	_ =	sdelay $0x1  }
0xdb: {  	v5 =	vadd.s32 v2, v5;
	_ =	sdelay $0x2  }
0xdc: {  	[tilespmem:s28], [sflag:$0x1] =	stream.indirect_vreg.gather [hbm4b:s1+s2], $0x80, v6, vm0, $0xb8;
	[tilespmem:$0xA200] =	vst v63  }
0xdd: {  	_ = 	snop  }
0xde: {  	[tilespmem:s29], [sflag:$0x1] =	stream.indirect_vreg.gather [hbm4b:s1+s2], $0x80, v5, vm0, $0xb8;
	[tilespmem:$0xA200] =	vst v63  }
0xdf: {  	v5 =	vld [tilespmem:$0xF0];
	_ =	sdelay $0x4  }
0xe0: {  	v6 =	vshll.u32 v5, $0x1  }
0xe1: {  	v5 =	vand.u32 $0x7, v5;
	v6 =	vand.u32 $0xFFFFFFF0, v6  }
0xe2: {  	v5 =	vor.u32 v5, v6  }
0xe3: {  	v6 =	vperm.xlane v5, v1;
	_ =	sdelay $0x1  }
0xe4: {  	v5 =	vperm.xlane v5, v3;
	v6 =	vadd.s32 v2, v6;
	_ =	sdelay $0x1  }
0xe5: {  	v5 =	vadd.s32 v2, v5;
	_ =	sdelay $0x2  }
0xe6: {  	[tilespmem:s30], [sflag:$0x1] =	stream.indirect_vreg.gather [hbm4b:s1+s2], $0x80, v6, vm0, $0xb8;
	[tilespmem:$0xA200] =	vst v63  }
0xe7: {  	_ = 	snop  }
0xe8: {  	[tilespmem:s31], [sflag:$0x1] =	stream.indirect_vreg.gather [hbm4b:s1+s2], $0x80, v5, vm0, $0xb8;
	[tilespmem:$0xA200] =	vst v63  }
0xe9: {  	_ =	swait.ge [sflag:s0], $0x8000  }
0xea: {  	[sflag:s0] =	ssyncset.done $0x0  }
0xeb: {  	s7 =	rddreg [dreg:$0x7];
	[sflag:s0] =	ssyncadd.s32 $0xFFFF8000  }
0xec: {  	[hbm4b:s7+s2] =	stream.linear.scatter [tilespmem:s15], [sflag:$0x2], $0x8000, $0x38;
	[tilespmem:$0xA200] =	vst v63  }
0xed: {  	_ =	swait.ge [sflag:s14], $0x8000  }
0xee: {  	[sflag:s14] =	ssyncset.done $0x0  }
0xef: {  	[sflag:s14] =	ssyncadd.s32 $0xFFFF8000  }
0xf0: {  	v5 =	vld [tilespmem:$0x80];
	_ =	sdelay $0x7  }
0xf1: {  	[tilespmem:v5+s3+$0x0] =	vst.idx.add.f32.msk $0xffff, v4  }
0xf2: {  	v5 =	vld [tilespmem:$0x90];
	_ =	sdelay $0x7  }
0xf3: {  	[tilespmem:v5+s3+$0x0] =	vst.idx.add.f32.msk $0xffff, v4  }
0xf4: {  	v5 =	vld [tilespmem:$0xA0];
	_ =	sdelay $0x7  }
0xf5: {  	[tilespmem:v5+s3+$0x0] =	vst.idx.add.f32.msk $0xffff, v4  }
0xf6: {  	v5 =	vld [tilespmem:$0xB0];
	_ =	sdelay $0x7  }
0xf7: {  	[tilespmem:v5+s3+$0x0] =	vst.idx.add.f32.msk $0xffff, v4  }
0xf8: {  	v5 =	vld [tilespmem:$0xC0];
	_ =	sdelay $0x7  }
0xf9: {  	[tilespmem:v5+s3+$0x0] =	vst.idx.add.f32.msk $0xffff, v4  }
0xfa: {  	v5 =	vld [tilespmem:$0xD0];
	_ =	sdelay $0x7  }
0xfb: {  	[tilespmem:v5+s3+$0x0] =	vst.idx.add.f32.msk $0xffff, v4  }
0xfc: {  	v5 =	vld [tilespmem:$0xE0];
	_ =	sdelay $0x7  }
0xfd: {  	[tilespmem:v5+s3+$0x0] =	vst.idx.add.f32.msk $0xffff, v4  }
0xfe: {  	v5 =	vld [tilespmem:$0xF0];
	_ =	sdelay $0x7  }
0xff: {  	s7 =	simm.s32 $0x100;
	[tilespmem:v5+s3+$0x0] =	vst.idx.add.f32.msk $0xffff, v4  }
0x100: {  	[tilespmem:s7], [sflag:$0x2] =	stream.linear.gather [hbm4b:s8+s2], $0x80, $0x38;
	[tilespmem:$0xA200] =	vst v63  }
0x101: {  	_ =	swait.ge [sflag:s14], $0x80  }
0x102: {  	[sflag:s14] =	ssyncset.done $0x0  }
0x103: {  	[sflag:s14] =	ssyncadd.s32 $0xFFFFFF80  }
0x104: {  	v5 =	vld [tilespmem:$0x100];
	_ =	sdelay $0x4  }
0x105: {  	v6 =	vshll.u32 v5, $0x1  }
0x106: {  	v5 =	vand.u32 $0x7, v5;
	v6 =	vand.u32 $0xFFFFFFF0, v6  }
0x107: {  	v5 =	vor.u32 v5, v6  }
0x108: {  	v6 =	vperm.xlane v5, v1;
	_ =	sdelay $0x1  }
0x109: {  	v5 =	vperm.xlane v5, v3;
	v6 =	vadd.s32 v2, v6;
	_ =	sdelay $0x1  }
0x10a: {  	v5 =	vadd.s32 v2, v5;
	_ =	sdelay $0x2  }
0x10b: {  	[tilespmem:s15], [sflag:$0x1] =	stream.indirect_vreg.gather [hbm4b:s1+s2], $0x80, v6, vm0, $0xb8;
	[tilespmem:$0xA200] =	vst v63  }
0x10c: {  	_ = 	snop  }
0x10d: {  	[tilespmem:s16], [sflag:$0x1] =	stream.indirect_vreg.gather [hbm4b:s1+s2], $0x80, v5, vm0, $0xb8;
	[tilespmem:$0xA200] =	vst v63  }
0x10e: {  	v5 =	vld [tilespmem:$0x110];
	_ =	sdelay $0x4  }
0x10f: {  	v6 =	vshll.u32 v5, $0x1  }
0x110: {  	v5 =	vand.u32 $0x7, v5;
	v6 =	vand.u32 $0xFFFFFFF0, v6  }
0x111: {  	v5 =	vor.u32 v5, v6  }
0x112: {  	v6 =	vperm.xlane v5, v1;
	_ =	sdelay $0x1  }
0x113: {  	v5 =	vperm.xlane v5, v3;
	v6 =	vadd.s32 v2, v6;
	_ =	sdelay $0x1  }
0x114: {  	v5 =	vadd.s32 v2, v5;
	_ =	sdelay $0x2  }
0x115: {  	[tilespmem:s17], [sflag:$0x1] =	stream.indirect_vreg.gather [hbm4b:s1+s2], $0x80, v6, vm0, $0xb8;
	[tilespmem:$0xA200] =	vst v63  }
0x116: {  	_ = 	snop  }
0x117: {  	[tilespmem:s18], [sflag:$0x1] =	stream.indirect_vreg.gather [hbm4b:s1+s2], $0x80, v5, vm0, $0xb8;
	[tilespmem:$0xA200] =	vst v63  }
0x118: {  	v5 =	vld [tilespmem:$0x120];
	_ =	sdelay $0x4  }
0x119: {  	v6 =	vshll.u32 v5, $0x1  }
0x11a: {  	v5 =	vand.u32 $0x7, v5;
	v6 =	vand.u32 $0xFFFFFFF0, v6  }
0x11b: {  	v5 =	vor.u32 v5, v6  }
0x11c: {  	v6 =	vperm.xlane v5, v1;
	_ =	sdelay $0x1  }
0x11d: {  	v5 =	vperm.xlane v5, v3;
	v6 =	vadd.s32 v2, v6;
	_ =	sdelay $0x1  }
0x11e: {  	v5 =	vadd.s32 v2, v5;
	_ =	sdelay $0x2  }
0x11f: {  	[tilespmem:s19], [sflag:$0x1] =	stream.indirect_vreg.gather [hbm4b:s1+s2], $0x80, v6, vm0, $0xb8;
	[tilespmem:$0xA200] =	vst v63  }
0x120: {  	_ = 	snop  }
0x121: {  	[tilespmem:s20], [sflag:$0x1] =	stream.indirect_vreg.gather [hbm4b:s1+s2], $0x80, v5, vm0, $0xb8;
	[tilespmem:$0xA200] =	vst v63  }
0x122: {  	v5 =	vld [tilespmem:$0x130];
	_ =	sdelay $0x4  }
0x123: {  	v6 =	vshll.u32 v5, $0x1  }
0x124: {  	v5 =	vand.u32 $0x7, v5;
	v6 =	vand.u32 $0xFFFFFFF0, v6  }
0x125: {  	v5 =	vor.u32 v5, v6  }
0x126: {  	v6 =	vperm.xlane v5, v1;
	_ =	sdelay $0x1  }
0x127: {  	v5 =	vperm.xlane v5, v3;
	v6 =	vadd.s32 v2, v6;
	_ =	sdelay $0x1  }
0x128: {  	v5 =	vadd.s32 v2, v5;
	_ =	sdelay $0x2  }
0x129: {  	[tilespmem:s21], [sflag:$0x1] =	stream.indirect_vreg.gather [hbm4b:s1+s2], $0x80, v6, vm0, $0xb8;
	[tilespmem:$0xA200] =	vst v63  }
0x12a: {  	_ = 	snop  }
0x12b: {  	[tilespmem:s22], [sflag:$0x1] =	stream.indirect_vreg.gather [hbm4b:s1+s2], $0x80, v5, vm0, $0xb8;
	[tilespmem:$0xA200] =	vst v63  }
0x12c: {  	v5 =	vld [tilespmem:$0x140];
	_ =	sdelay $0x4  }
0x12d: {  	v6 =	vshll.u32 v5, $0x1  }
0x12e: {  	v5 =	vand.u32 $0x7, v5;
	v6 =	vand.u32 $0xFFFFFFF0, v6  }
0x12f: {  	v5 =	vor.u32 v5, v6  }
0x130: {  	v6 =	vperm.xlane v5, v1;
	_ =	sdelay $0x1  }
0x131: {  	v5 =	vperm.xlane v5, v3;
	v6 =	vadd.s32 v2, v6;
	_ =	sdelay $0x1  }
0x132: {  	v5 =	vadd.s32 v2, v5;
	_ =	sdelay $0x2  }
0x133: {  	[tilespmem:s23], [sflag:$0x1] =	stream.indirect_vreg.gather [hbm4b:s1+s2], $0x80, v6, vm0, $0xb8;
	[tilespmem:$0xA200] =	vst v63  }
0x134: {  	_ = 	snop  }
0x135: {  	[tilespmem:s24], [sflag:$0x1] =	stream.indirect_vreg.gather [hbm4b:s1+s2], $0x80, v5, vm0, $0xb8;
	[tilespmem:$0xA200] =	vst v63  }
0x136: {  	v5 =	vld [tilespmem:$0x150];
	_ =	sdelay $0x4  }
0x137: {  	v6 =	vshll.u32 v5, $0x1  }
0x138: {  	v5 =	vand.u32 $0x7, v5;
	v6 =	vand.u32 $0xFFFFFFF0, v6  }
0x139: {  	v5 =	vor.u32 v5, v6  }
0x13a: {  	v6 =	vperm.xlane v5, v1;
	_ =	sdelay $0x1  }
0x13b: {  	v5 =	vperm.xlane v5, v3;
	v6 =	vadd.s32 v2, v6;
	_ =	sdelay $0x1  }
0x13c: {  	v5 =	vadd.s32 v2, v5;
	_ =	sdelay $0x2  }
0x13d: {  	[tilespmem:s25], [sflag:$0x1] =	stream.indirect_vreg.gather [hbm4b:s1+s2], $0x80, v6, vm0, $0xb8;
	[tilespmem:$0xA200] =	vst v63  }
0x13e: {  	_ = 	snop  }
0x13f: {  	[tilespmem:s26], [sflag:$0x1] =	stream.indirect_vreg.gather [hbm4b:s1+s2], $0x80, v5, vm0, $0xb8;
	[tilespmem:$0xA200] =	vst v63  }
0x140: {  	v5 =	vld [tilespmem:$0x160];
	_ =	sdelay $0x4  }
0x141: {  	v6 =	vshll.u32 v5, $0x1  }
0x142: {  	v5 =	vand.u32 $0x7, v5;
	v6 =	vand.u32 $0xFFFFFFF0, v6  }
0x143: {  	v5 =	vor.u32 v5, v6  }
0x144: {  	v6 =	vperm.xlane v5, v1;
	_ =	sdelay $0x1  }
0x145: {  	v5 =	vperm.xlane v5, v3;
	v6 =	vadd.s32 v2, v6;
	_ =	sdelay $0x1  }
0x146: {  	v5 =	vadd.s32 v2, v5;
	_ =	sdelay $0x2  }
0x147: {  	[tilespmem:s28], [sflag:$0x1] =	stream.indirect_vreg.gather [hbm4b:s1+s2], $0x80, v6, vm0, $0xb8;
	[tilespmem:$0xA200] =	vst v63  }
0x148: {  	_ = 	snop  }
0x149: {  	[tilespmem:s29], [sflag:$0x1] =	stream.indirect_vreg.gather [hbm4b:s1+s2], $0x80, v5, vm0, $0xb8;
	[tilespmem:$0xA200] =	vst v63  }
0x14a: {  	v5 =	vld [tilespmem:$0x170];
	_ =	sdelay $0x4  }
0x14b: {  	v6 =	vshll.u32 v5, $0x1  }
0x14c: {  	v5 =	vand.u32 $0x7, v5;
	v6 =	vand.u32 $0xFFFFFFF0, v6  }
0x14d: {  	v5 =	vor.u32 v5, v6  }
0x14e: {  	v6 =	vperm.xlane v5, v1;
	_ =	sdelay $0x1  }
0x14f: {  	v5 =	vperm.xlane v5, v3;
	v6 =	vadd.s32 v2, v6;
	_ =	sdelay $0x1  }
0x150: {  	v5 =	vadd.s32 v2, v5;
	_ =	sdelay $0x2  }
0x151: {  	[tilespmem:s30], [sflag:$0x1] =	stream.indirect_vreg.gather [hbm4b:s1+s2], $0x80, v6, vm0, $0xb8;
	[tilespmem:$0xA200] =	vst v63  }
0x152: {  	_ = 	snop  }
0x153: {  	[tilespmem:s31], [sflag:$0x1] =	stream.indirect_vreg.gather [hbm4b:s1+s2], $0x80, v5, vm0, $0xb8;
	[tilespmem:$0xA200] =	vst v63  }
0x154: {  	_ =	swait.ge [sflag:s0], $0x8000  }
0x155: {  	[sflag:s0] =	ssyncset.done $0x0  }
0x156: {  	[sflag:s0] =	ssyncadd.s32 $0xFFFF8000  }
0x157: {  	[hbm4b:s9+s2] =	stream.linear.scatter [tilespmem:s15], [sflag:$0x2], $0x8000, $0x38;
	[tilespmem:$0xA200] =	vst v63  }
0x158: {  	_ =	swait.ge [sflag:s14], $0x8000  }
0x159: {  	[sflag:s14] =	ssyncset.done $0x0  }
0x15a: {  	[sflag:s14] =	ssyncadd.s32 $0xFFFF8000  }
0x15b: {  	v5 =	vld [tilespmem:$0x100];
	_ =	sdelay $0x7  }
0x15c: {  	[tilespmem:v5+s3+$0x0] =	vst.idx.add.f32.msk $0xffff, v4  }
0x15d: {  	v5 =	vld [tilespmem:$0x110];
	_ =	sdelay $0x7  }
0x15e: {  	[tilespmem:v5+s3+$0x0] =	vst.idx.add.f32.msk $0xffff, v4  }
0x15f: {  	v5 =	vld [tilespmem:$0x120];
	_ =	sdelay $0x7  }
0x160: {  	[tilespmem:v5+s3+$0x0] =	vst.idx.add.f32.msk $0xffff, v4  }
0x161: {  	v5 =	vld [tilespmem:$0x130];
	_ =	sdelay $0x7  }
0x162: {  	[tilespmem:v5+s3+$0x0] =	vst.idx.add.f32.msk $0xffff, v4  }
0x163: {  	v5 =	vld [tilespmem:$0x140];
	_ =	sdelay $0x7  }
0x164: {  	[tilespmem:v5+s3+$0x0] =	vst.idx.add.f32.msk $0xffff, v4  }
0x165: {  	v5 =	vld [tilespmem:$0x150];
	_ =	sdelay $0x7  }
0x166: {  	[tilespmem:v5+s3+$0x0] =	vst.idx.add.f32.msk $0xffff, v4  }
0x167: {  	v5 =	vld [tilespmem:$0x160];
	_ =	sdelay $0x7  }
0x168: {  	[tilespmem:v5+s3+$0x0] =	vst.idx.add.f32.msk $0xffff, v4  }
0x169: {  	v5 =	vld [tilespmem:$0x170];
	_ =	sdelay $0x7  }
0x16a: {  	s7 =	simm.s32 $0x180;
	[tilespmem:v5+s3+$0x0] =	vst.idx.add.f32.msk $0xffff, v4  }
0x16b: {  	[tilespmem:s7], [sflag:$0x2] =	stream.linear.gather [hbm4b:s10+s2], $0x80, $0x38;
	[tilespmem:$0xA200] =	vst v63  }
0x16c: {  	_ =	swait.ge [sflag:s14], $0x80  }
0x16d: {  	[sflag:s14] =	ssyncset.done $0x0  }
0x16e: {  	[sflag:s14] =	ssyncadd.s32 $0xFFFFFF80  }
0x16f: {  	v5 =	vld [tilespmem:$0x180];
	_ =	sdelay $0x4  }
0x170: {  	v6 =	vshll.u32 v5, $0x1  }
0x171: {  	v5 =	vand.u32 $0x7, v5;
	v6 =	vand.u32 $0xFFFFFFF0, v6  }
0x172: {  	v5 =	vor.u32 v5, v6  }
0x173: {  	v6 =	vperm.xlane v5, v1;
	_ =	sdelay $0x1  }
0x174: {  	v5 =	vperm.xlane v5, v3;
	v6 =	vadd.s32 v2, v6;
	_ =	sdelay $0x1  }
0x175: {  	v5 =	vadd.s32 v2, v5;
	_ =	sdelay $0x2  }
0x176: {  	[tilespmem:s15], [sflag:$0x1] =	stream.indirect_vreg.gather [hbm4b:s1+s2], $0x80, v6, vm0, $0xb8;
	[tilespmem:$0xA200] =	vst v63  }
0x177: {  	_ = 	snop  }
0x178: {  	[tilespmem:s16], [sflag:$0x1] =	stream.indirect_vreg.gather [hbm4b:s1+s2], $0x80, v5, vm0, $0xb8;
	[tilespmem:$0xA200] =	vst v63  }
0x179: {  	v5 =	vld [tilespmem:$0x190];
	_ =	sdelay $0x4  }
0x17a: {  	v6 =	vshll.u32 v5, $0x1  }
0x17b: {  	v5 =	vand.u32 $0x7, v5;
	v6 =	vand.u32 $0xFFFFFFF0, v6  }
0x17c: {  	v5 =	vor.u32 v5, v6  }
0x17d: {  	v6 =	vperm.xlane v5, v1;
	_ =	sdelay $0x1  }
0x17e: {  	v5 =	vperm.xlane v5, v3;
	v6 =	vadd.s32 v2, v6;
	_ =	sdelay $0x1  }
0x17f: {  	v5 =	vadd.s32 v2, v5;
	_ =	sdelay $0x2  }
0x180: {  	[tilespmem:s17], [sflag:$0x1] =	stream.indirect_vreg.gather [hbm4b:s1+s2], $0x80, v6, vm0, $0xb8;
	[tilespmem:$0xA200] =	vst v63  }
0x181: {  	_ = 	snop  }
0x182: {  	[tilespmem:s18], [sflag:$0x1] =	stream.indirect_vreg.gather [hbm4b:s1+s2], $0x80, v5, vm0, $0xb8;
	[tilespmem:$0xA200] =	vst v63  }
0x183: {  	v5 =	vld [tilespmem:$0x1A0];
	_ =	sdelay $0x4  }
0x184: {  	v6 =	vshll.u32 v5, $0x1  }
0x185: {  	v5 =	vand.u32 $0x7, v5;
	v6 =	vand.u32 $0xFFFFFFF0, v6  }
0x186: {  	v5 =	vor.u32 v5, v6  }
0x187: {  	v6 =	vperm.xlane v5, v1;
	_ =	sdelay $0x1  }
0x188: {  	v5 =	vperm.xlane v5, v3;
	v6 =	vadd.s32 v2, v6;
	_ =	sdelay $0x1  }
0x189: {  	v5 =	vadd.s32 v2, v5;
	_ =	sdelay $0x2  }
0x18a: {  	[tilespmem:s19], [sflag:$0x1] =	stream.indirect_vreg.gather [hbm4b:s1+s2], $0x80, v6, vm0, $0xb8;
	[tilespmem:$0xA200] =	vst v63  }
0x18b: {  	_ = 	snop  }
0x18c: {  	[tilespmem:s20], [sflag:$0x1] =	stream.indirect_vreg.gather [hbm4b:s1+s2], $0x80, v5, vm0, $0xb8;
	[tilespmem:$0xA200] =	vst v63  }
0x18d: {  	v5 =	vld [tilespmem:$0x1B0];
	_ =	sdelay $0x4  }
0x18e: {  	v6 =	vshll.u32 v5, $0x1  }
0x18f: {  	v5 =	vand.u32 $0x7, v5;
	v6 =	vand.u32 $0xFFFFFFF0, v6  }
0x190: {  	v5 =	vor.u32 v5, v6  }
0x191: {  	v6 =	vperm.xlane v5, v1;
	_ =	sdelay $0x1  }
0x192: {  	v5 =	vperm.xlane v5, v3;
	v6 =	vadd.s32 v2, v6;
	_ =	sdelay $0x1  }
0x193: {  	v5 =	vadd.s32 v2, v5;
	_ =	sdelay $0x2  }
0x194: {  	[tilespmem:s21], [sflag:$0x1] =	stream.indirect_vreg.gather [hbm4b:s1+s2], $0x80, v6, vm0, $0xb8;
	[tilespmem:$0xA200] =	vst v63  }
0x195: {  	_ = 	snop  }
0x196: {  	[tilespmem:s22], [sflag:$0x1] =	stream.indirect_vreg.gather [hbm4b:s1+s2], $0x80, v5, vm0, $0xb8;
	[tilespmem:$0xA200] =	vst v63  }
0x197: {  	v5 =	vld [tilespmem:$0x1C0];
	_ =	sdelay $0x4  }
0x198: {  	v6 =	vshll.u32 v5, $0x1  }
0x199: {  	v5 =	vand.u32 $0x7, v5;
	v6 =	vand.u32 $0xFFFFFFF0, v6  }
0x19a: {  	v5 =	vor.u32 v5, v6  }
0x19b: {  	v6 =	vperm.xlane v5, v1;
	_ =	sdelay $0x1  }
0x19c: {  	v5 =	vperm.xlane v5, v3;
	v6 =	vadd.s32 v2, v6;
	_ =	sdelay $0x1  }
0x19d: {  	v5 =	vadd.s32 v2, v5;
	_ =	sdelay $0x2  }
0x19e: {  	[tilespmem:s23], [sflag:$0x1] =	stream.indirect_vreg.gather [hbm4b:s1+s2], $0x80, v6, vm0, $0xb8;
	[tilespmem:$0xA200] =	vst v63  }
0x19f: {  	_ = 	snop  }
0x1a0: {  	[tilespmem:s24], [sflag:$0x1] =	stream.indirect_vreg.gather [hbm4b:s1+s2], $0x80, v5, vm0, $0xb8;
	[tilespmem:$0xA200] =	vst v63  }
0x1a1: {  	v5 =	vld [tilespmem:$0x1D0];
	_ =	sdelay $0x4  }
0x1a2: {  	v6 =	vshll.u32 v5, $0x1  }
0x1a3: {  	v5 =	vand.u32 $0x7, v5;
	v6 =	vand.u32 $0xFFFFFFF0, v6  }
0x1a4: {  	v5 =	vor.u32 v5, v6  }
0x1a5: {  	v6 =	vperm.xlane v5, v1;
	_ =	sdelay $0x1  }
0x1a6: {  	v5 =	vperm.xlane v5, v3;
	v6 =	vadd.s32 v2, v6;
	_ =	sdelay $0x1  }
0x1a7: {  	v5 =	vadd.s32 v2, v5;
	_ =	sdelay $0x2  }
0x1a8: {  	[tilespmem:s25], [sflag:$0x1] =	stream.indirect_vreg.gather [hbm4b:s1+s2], $0x80, v6, vm0, $0xb8;
	[tilespmem:$0xA200] =	vst v63  }
0x1a9: {  	_ = 	snop  }
0x1aa: {  	[tilespmem:s26], [sflag:$0x1] =	stream.indirect_vreg.gather [hbm4b:s1+s2], $0x80, v5, vm0, $0xb8;
	[tilespmem:$0xA200] =	vst v63  }
0x1ab: {  	v5 =	vld [tilespmem:$0x1E0];
	_ =	sdelay $0x4  }
0x1ac: {  	v6 =	vshll.u32 v5, $0x1  }
0x1ad: {  	v5 =	vand.u32 $0x7, v5;
	v6 =	vand.u32 $0xFFFFFFF0, v6  }
0x1ae: {  	v5 =	vor.u32 v5, v6  }
0x1af: {  	v6 =	vperm.xlane v5, v1;
	_ =	sdelay $0x1  }
0x1b0: {  	v5 =	vperm.xlane v5, v3;
	v6 =	vadd.s32 v2, v6;
	_ =	sdelay $0x1  }
0x1b1: {  	v5 =	vadd.s32 v2, v5;
	_ =	sdelay $0x2  }
0x1b2: {  	[tilespmem:s28], [sflag:$0x1] =	stream.indirect_vreg.gather [hbm4b:s1+s2], $0x80, v6, vm0, $0xb8;
	[tilespmem:$0xA200] =	vst v63  }
0x1b3: {  	_ = 	snop  }
0x1b4: {  	[tilespmem:s29], [sflag:$0x1] =	stream.indirect_vreg.gather [hbm4b:s1+s2], $0x80, v5, vm0, $0xb8;
	[tilespmem:$0xA200] =	vst v63  }
0x1b5: {  	v5 =	vld [tilespmem:$0x1F0];
	_ =	sdelay $0x4  }
0x1b6: {  	v6 =	vshll.u32 v5, $0x1  }
0x1b7: {  	v5 =	vand.u32 $0x7, v5;
	v6 =	vand.u32 $0xFFFFFFF0, v6  }
0x1b8: {  	v5 =	vor.u32 v5, v6  }
0x1b9: {  	v6 =	vperm.xlane v5, v1;
	_ =	sdelay $0x1  }
0x1ba: {  	v5 =	vperm.xlane v5, v3;
	v6 =	vadd.s32 v2, v6;
	_ =	sdelay $0x1  }
0x1bb: {  	v5 =	vadd.s32 v2, v5;
	_ =	sdelay $0x2  }
0x1bc: {  	[tilespmem:s30], [sflag:$0x1] =	stream.indirect_vreg.gather [hbm4b:s1+s2], $0x80, v6, vm0, $0xb8;
	[tilespmem:$0xA200] =	vst v63  }
0x1bd: {  	_ = 	snop  }
0x1be: {  	[tilespmem:s31], [sflag:$0x1] =	stream.indirect_vreg.gather [hbm4b:s1+s2], $0x80, v5, vm0, $0xb8;
	[tilespmem:$0xA200] =	vst v63  }
0x1bf: {  	_ =	swait.ge [sflag:s0], $0x8000  }
0x1c0: {  	[sflag:s0] =	ssyncset.done $0x0  }
0x1c1: {  	[sflag:s0] =	ssyncadd.s32 $0xFFFF8000  }
0x1c2: {  	[hbm4b:s11+s2] =	stream.linear.scatter [tilespmem:s15], [sflag:$0x2], $0x8000, $0x38;
	[tilespmem:$0xA200] =	vst v63  }
0x1c3: {  	_ =	swait.ge [sflag:s14], $0x8000  }
0x1c4: {  	[sflag:s14] =	ssyncset.done $0x0  }
0x1c5: {  	[sflag:s14] =	ssyncadd.s32 $0xFFFF8000  }
0x1c6: {  	v5 =	vld [tilespmem:$0x180];
	_ =	sdelay $0x7  }
0x1c7: {  	[tilespmem:v5+s3+$0x0] =	vst.idx.add.f32.msk $0xffff, v4  }
0x1c8: {  	v5 =	vld [tilespmem:$0x190];
	_ =	sdelay $0x7  }
0x1c9: {  	[tilespmem:v5+s3+$0x0] =	vst.idx.add.f32.msk $0xffff, v4  }
0x1ca: {  	v5 =	vld [tilespmem:$0x1A0];
	_ =	sdelay $0x7  }
0x1cb: {  	[tilespmem:v5+s3+$0x0] =	vst.idx.add.f32.msk $0xffff, v4  }
0x1cc: {  	v5 =	vld [tilespmem:$0x1B0];
	_ =	sdelay $0x7  }
0x1cd: {  	[tilespmem:v5+s3+$0x0] =	vst.idx.add.f32.msk $0xffff, v4  }
0x1ce: {  	v5 =	vld [tilespmem:$0x1C0];
	_ =	sdelay $0x7  }
0x1cf: {  	[tilespmem:v5+s3+$0x0] =	vst.idx.add.f32.msk $0xffff, v4  }
0x1d0: {  	v5 =	vld [tilespmem:$0x1D0];
	_ =	sdelay $0x7  }
0x1d1: {  	[tilespmem:v5+s3+$0x0] =	vst.idx.add.f32.msk $0xffff, v4  }
0x1d2: {  	v5 =	vld [tilespmem:$0x1E0];
	_ =	sdelay $0x7  }
0x1d3: {  	[tilespmem:v5+s3+$0x0] =	vst.idx.add.f32.msk $0xffff, v4  }
0x1d4: {  	v5 =	vld [tilespmem:$0x1F0];
	_ =	sdelay $0x5  }
0x1d5: {  	s5 =	sadd.s32 $0x1, s5  }
0x1d6: {  	p0 =	sne.s32 s5, s13  }
.Ltmp1:
0x1d7: {  	s7 =	simm.s32 $0x400;
	[tilespmem:v5+s3+$0x0] =	vst.idx.add.f32.msk $0xffff, v4;
	(pc) =	sbr.rel @p0 .LBB2_1-.Ltmp1, $4  }
0x1d8: {  	[hbm4b:s12+s4] =	stream.strided.scatter [tilespmem:s3], [sflag:$0x2], $0x2000, s7, s4, $0x38;
	[tilespmem:$0xA200] =	vst v63  }
0x1d9: {  	_ =	swait.ge [sflag:s14], $0x2000  }
0x1da: {  	[sflag:s14] =	ssyncset.done $0x0  }
0x1db: {  	[sflag:s14] =	ssyncadd.s32 $0xFFFFE000  }
0x1dc: {  	_ =	sfence.sel $0x180000  }
0x1dd: {  	[bflag:$0x0] =	sbarrier.arrive $0xFFFF  }
0x1de: {  	_ =	strace $0x90000047  }
0x1df: {  	s0 =	stileid.u32;
	[bflag:$0x2] =	sbarrier.arrive $0xFFFF  }
0x1e0: {  	p0 =	sne.s32 s0, $0x0;
	s0 =	rddreg [dreg:$0x3]  }
0x1e1: {  	s0 =	sadd.s32 @!p0 $0x100000, s0  }
0x1e2: {  	[sflag:s0] =	ssyncadd.tile.s32 @!p0 $0x1;
	_ =	shalt  }
.Lfunc_end2:
_tile_overlayer_lowered:
.L_overlay_start_2:
0x1e3: {  	(tag) =	ssettag $0x2  }
0x1e4: {  	s0 =	rddreg [dreg:$0x0];
	s2 =	stileid.u32  }
0x1e5: {  	s1 =	rddreg [dreg:$0x1];
	p0 =	sne.s32 s2, $0x0  }
0x1e6: {  	s3 =	rddreg [dreg:$0x2];
	[bflag:$0x3] =	sbarrier.arrive $0xFFFF;
	s2 =	simm.s32 @!p0 $0x1C02  }
0x1e7: {  	[timem:s3], [sflag:s2] =	dma.local @!p0 [hbm:s0], s1  }
0x1e8: {  	s0 =	simm.s32 @!p0 $0x2  }
0x1e9: {  	_ =	swait.ge @!p0 [sflag:s0], s1  }
0x1ea: {  	s1 =	ssub.s32 @!p0 $0x0, s1;
	[sflag:s0] =	ssyncset.done @!p0 $0x0  }
0x1eb: {  	[sflag:s0] =	ssyncadd.s32 @!p0 s1  }
0x1ec: {  	[bflag:$0x3] =	sbarrier.arrive $0xFFFF  }
0x1ed: {  	_ =	shalt  }

</sc_bundles>
